<compile_context>
chip_gen: v7x
topology: tpu7x:2x2x1
jax: 0.10.2.dev20260603
libtpu: 0.0.44.dev20260713+nightly
codegen_flags: <defaults>
</compile_context>

<pallas_src>
import functools

import jax
import jax.numpy as jnp
from jax import lax
from jax.experimental import pallas as pl
from jax.experimental.pallas import tpu as pltpu
from jax.experimental.pallas import tpu_sc as plsc

SEQ_LEN = 1048576
ALPHABET = 4
NUM_CORES = 2
NUM_SUBCORES = 16
LANES = 16
NW = NUM_CORES * NUM_SUBCORES
PER_W = SEQ_LEN // NW
CHUNK = 8192
NCHUNK = PER_W // CHUNK
NBUF = 2
BLOCK = 128

_MESH = plsc.VectorSubcoreMesh(core_axis_name="c", subcore_axis_name="s")


@functools.partial(
    pl.kernel,
    out_type=jax.ShapeDtypeStruct((SEQ_LEN * ALPHABET,), jnp.float32),
    mesh=_MESH,
    scratch_types=[
        [pltpu.VMEM((CHUNK,), jnp.int32) for _ in range(NBUF)],
        [pltpu.VMEM((CHUNK * ALPHABET,), jnp.float32) for _ in range(NBUF)],
        [pltpu.SemaphoreType.DMA for _ in range(NBUF)],
        [pltpu.SemaphoreType.DMA for _ in range(NBUF)],
    ],
)
def _onehot_sc(seq_hbm, out_hbm, seq_bufs, out_bufs, in_sems, out_sems):
    wid = lax.axis_index("s") * NUM_CORES + lax.axis_index("c")
    in_base = wid * PER_W

    ones = jnp.ones((LANES,), jnp.float32)
    zeros = jnp.zeros((LANES,), jnp.float32)
    syms = [jnp.full((LANES,), j, jnp.int32) for j in range(ALPHABET)]

    def compute_chunk(seq_buf, out_buf):
        def step(k, carry):
            v = seq_buf[pl.ds(k * LANES, LANES)]
            base = ((k >> 3) * (BLOCK * ALPHABET)) + ((k & 7) * LANES)
            for j in range(ALPHABET):
                out_buf[pl.ds(base + j * BLOCK, LANES)] = jnp.where(
                    v == syms[j], ones, zeros)
            return carry
        lax.fori_loop(0, CHUNK // LANES, step, 0, unroll=4)

    def start_in(ci, slot):
        pltpu.async_copy(
            seq_hbm.at[pl.ds(in_base + ci * CHUNK, CHUNK)],
            seq_bufs[slot], in_sems[slot])

    def out_copy(ci, slot):
        return pltpu.make_async_copy(
            out_bufs[slot],
            out_hbm.at[pl.ds((in_base + ci * CHUNK) * ALPHABET,
                             CHUNK * ALPHABET)],
            out_sems[slot])

    for b in range(NBUF):
        start_in(b, b)

    for ci in range(NCHUNK):
        slot = ci % NBUF
        pltpu.make_async_copy(
            seq_hbm.at[pl.ds(in_base + ci * CHUNK, CHUNK)],
            seq_bufs[slot], in_sems[slot]).wait()
        if ci >= NBUF:
            out_copy(ci - NBUF, slot).wait()
        compute_chunk(seq_bufs[slot], out_bufs[slot])
        out_copy(ci, slot).start()
        if ci + NBUF < NCHUNK:
            start_in(ci + NBUF, slot)

    for ci in range(max(NCHUNK - NBUF, 0), NCHUNK):
        out_copy(ci, ci % NBUF).wait()


def kernel(seq, table):
    del table
    buf = _onehot_sc(seq)
    return (buf.reshape(SEQ_LEN // BLOCK, ALPHABET, BLOCK)
            .transpose(0, 2, 1).reshape(SEQ_LEN, ALPHABET))

# --- scband reference (transcript-rebuilt; emitter-appended) ---
"""Pipeline reference for scband-seq2-tensor-704374637207 (READ-ONLY COPY).

The authoritative reference and input builder live on the scoring server;
editing this copy changes nothing except your own understanding.
"""

import jax, jax.numpy as jnp
import numpy as np

SEQ_LEN = 1048576
ALPHABET = 4  # A, C, G, T


def setup_inputs(seed: int = 0) -> dict:
    key = jax.random.key(seed)
    seq = jax.random.randint(key, (SEQ_LEN,), 0, ALPHABET, dtype=jnp.int64 if jax.config.jax_enable_x64 else jnp.int32)
    seq = seq.astype(jnp.int32)
    # One-hot encoding expressed as an embedding lookup into an identity table
    # (faithful to one_hot_encode(seq, dtype=torch.float32)).
    table = jnp.eye(ALPHABET, dtype=jnp.float32)
    return {"seq": seq, "table": table}


def reference(seq, table):
    # Seq2Tensor.forward: one_hot_encode(seq, dtype=float32)
    # Implemented as a gather from a 4x4 identity matrix -> [L, 4] float32.
    out = jnp.take(table, seq, axis=0)
    return out

if __name__ == "__main__":
    import jax
    _d = setup_inputs()
    print(jax.jit(kernel)(*tuple(_d.values())))

</pallas_src>

<mosaic_0001>
#map = affine_map<(d0, d1) -> (0)>
module attributes {stable_mosaic.version = 14 : i64} {
  func.func @_onehot_sc(%arg0: i32, %arg1: i32, %arg2: memref<1048576xi32, #tpu.memory_space<hbm>>, %arg3: memref<4194304xf32, #tpu.memory_space<hbm>>, %arg4: memref<8192xi32, #tpu.memory_space<vmem>>, %arg5: memref<8192xi32, #tpu.memory_space<vmem>>, %arg6: memref<32768xf32, #tpu.memory_space<vmem>>, %arg7: memref<32768xf32, #tpu.memory_space<vmem>>, %arg8: memref<!tpu.dma_semaphore, #tpu.memory_space<semaphore_mem>>, %arg9: memref<!tpu.dma_semaphore, #tpu.memory_space<semaphore_mem>>, %arg10: memref<!tpu.dma_semaphore, #tpu.memory_space<semaphore_mem>>, %arg11: memref<!tpu.dma_semaphore, #tpu.memory_space<semaphore_mem>>) attributes {dimension_semantics = [#tpu.dimension_semantics<core_parallel>, #tpu.dimension_semantics<subcore_parallel>], iteration_bounds = array<i64: 2, 16>, scalar_prefetch = 0 : i64, scratch_operands = 8 : i64, tpu.core_type = #tpu.core_type<sc_vector_subcore>, window_params = [{transform_indices = #map}, {transform_indices = #map}]} {
    %mul3A = arith.constant 2 : i32
    %mul3A_0 = arith.muli %arg1, %mul3A : i32
    %add3A = arith.addi %mul3A_0, %arg0 : i32
    %mul3A_1 = arith.constant 32768 : i32
    %mul3A_2 = arith.muli %add3A, %mul3A_1 : i32
    %broadcast_in_dim3A = arith.constant 1.000000e+00 : f32
    %broadcast_in_dim3A_3 = vector.broadcast %broadcast_in_dim3A : f32 to vector<16xf32>
    %broadcast_in_dim3A_4 = arith.constant 0.000000e+00 : f32
    %broadcast_in_dim3A_5 = vector.broadcast %broadcast_in_dim3A_4 : f32 to vector<16xf32>
    %broadcast_in_dim3A_6 = arith.constant 0 : i32
    %broadcast_in_dim3A_7 = vector.broadcast %broadcast_in_dim3A_6 : i32 to vector<16xi32>
    %broadcast_in_dim3A_8 = arith.constant 1 : i32
    %broadcast_in_dim3A_9 = vector.broadcast %broadcast_in_dim3A_8 : i32 to vector<16xi32>
    %broadcast_in_dim3A_10 = arith.constant 2 : i32
    %broadcast_in_dim3A_11 = vector.broadcast %broadcast_in_dim3A_10 : i32 to vector<16xi32>
    %broadcast_in_dim3A_12 = arith.constant 3 : i32
    %broadcast_in_dim3A_13 = vector.broadcast %broadcast_in_dim3A_12 : i32 to vector<16xi32>
    %add3A_14 = arith.constant 0 : i32
    %add3A_15 = arith.addi %mul3A_2, %add3A_14 : i32
    %dma_start3A = tpu.memref_slice %arg2[%add3A_15] : memref<1048576xi32, #tpu.memory_space<hbm>> -> memref<8192xi32, #tpu.memory_space<hbm>>
    %dma_start3A_16 = tpu.memref_slice %arg2[%add3A_15] : memref<1048576xi32, #tpu.memory_space<hbm>> -> memref<8192xi32, #tpu.memory_space<hbm>>
    tpu.enqueue_dma source(%dma_start3A_16 : memref<8192xi32, #tpu.memory_space<hbm>>) target(%arg4 : memref<8192xi32, #tpu.memory_space<vmem>>) target_semaphore(%arg8 : memref<!tpu.dma_semaphore, #tpu.memory_space<semaphore_mem>>)
    %add3A_17 = arith.constant 8192 : i32
    %add3A_18 = arith.addi %mul3A_2, %add3A_17 : i32
    %dma_start3A_19 = tpu.memref_slice %arg2[%add3A_18] : memref<1048576xi32, #tpu.memory_space<hbm>> -> memref<8192xi32, #tpu.memory_space<hbm>>
    %dma_start3A_20 = tpu.memref_slice %arg2[%add3A_18] : memref<1048576xi32, #tpu.memory_space<hbm>> -> memref<8192xi32, #tpu.memory_space<hbm>>
    tpu.enqueue_dma source(%dma_start3A_20 : memref<8192xi32, #tpu.memory_space<hbm>>) target(%arg5 : memref<8192xi32, #tpu.memory_space<vmem>>) target_semaphore(%arg9 : memref<!tpu.dma_semaphore, #tpu.memory_space<semaphore_mem>>)
    %add3A_21 = arith.constant 0 : i32
    %add3A_22 = arith.addi %mul3A_2, %add3A_21 : i32
    %dma_wait3A = tpu.memref_slice %arg2[%add3A_22] : memref<1048576xi32, #tpu.memory_space<hbm>> -> memref<8192xi32, #tpu.memory_space<hbm>>
    %dma_wait3A_23 = tpu.memref_slice %arg2[%add3A_22] : memref<1048576xi32, #tpu.memory_space<hbm>> -> memref<8192xi32, #tpu.memory_space<hbm>>
    tpu.wait_dma2 semaphore(%arg8 : memref<!tpu.dma_semaphore, #tpu.memory_space<semaphore_mem>>) src(%dma_wait3A_23 : memref<8192xi32, #tpu.memory_space<hbm>>) dst(%arg4 : memref<8192xi32, #tpu.memory_space<vmem>>)
    %scan3A = arith.constant 0 : i32
    %scan3A_24 = arith.constant 0 : i32
    %scan3A_25 = arith.constant 512 : i32
    %scan3A_26 = arith.addi %scan3A_24, %scan3A_25 : i32
    %scan3A_27 = arith.constant 4 : i32
    scf.for %scan3A_115 = %scan3A_24 to %scan3A_26 step %scan3A_27  : i32 {
      %mul3A_116 = arith.constant 16 : i32
      %mul3A_117 = arith.muli %scan3A_115, %mul3A_116 : i32
      %get3A = arith.index_cast %mul3A_117 : i32 to index
      %get3A_118 = tpu.vector_load %arg4[%get3A] {strides = array<i32>} : memref<8192xi32, #tpu.memory_space<vmem>>, vector<16xi32>,
      %get3A_119 = vector.shape_cast %get3A_118 : vector<16xi32> to vector<16xi32>
      %shift_right_arithmetic3A = arith.constant 3 : i32
      %shift_right_arithmetic3A_120 = arith.shrsi %scan3A_115, %shift_right_arithmetic3A : i32
      %mul3A_121 = arith.constant 512 : i32
      %mul3A_122 = arith.muli %shift_right_arithmetic3A_120, %mul3A_121 : i32
      %and3A = arith.constant 7 : i32
      %and3A_123 = arith.andi %scan3A_115, %and3A : i32
      %mul3A_124 = arith.constant 16 : i32
      %mul3A_125 = arith.muli %and3A_123, %mul3A_124 : i32
      %add3A_126 = arith.addi %mul3A_122, %mul3A_125 : i32
      %eq3A = arith.cmpi eq, %get3A_119, %broadcast_in_dim3A_7 : vector<16xi32>
      %select_n3A = arith.select %eq3A, %broadcast_in_dim3A_3, %broadcast_in_dim3A_5 : vector<16xi1>, vector<16xf32>
      %add3A_127 = arith.constant 0 : i32
      %add3A_128 = arith.addi %add3A_126, %add3A_127 : i32
      %swap3A = arith.index_cast %add3A_128 : i32 to index
      %swap3A_129 = tpu.vector_load %arg6[%swap3A] {strides = array<i32>} : memref<32768xf32, #tpu.memory_space<vmem>>, vector<16xf32>,
      %swap3A_130 = vector.shape_cast %swap3A_129 : vector<16xf32> to vector<16xf32>
      %swap3A_131 = vector.shape_cast %select_n3A : vector<16xf32> to vector<16xf32>
      tpu.vector_store %arg6[%swap3A], %swap3A_131 {strides = array<i32>} : memref<32768xf32, #tpu.memory_space<vmem>>, vector<16xf32>,
      %eq3A_132 = arith.cmpi eq, %get3A_119, %broadcast_in_dim3A_9 : vector<16xi32>
      %select_n3A_133 = arith.select %eq3A_132, %broadcast_in_dim3A_3, %broadcast_in_dim3A_5 : vector<16xi1>, vector<16xf32>
      %add3A_134 = arith.constant 128 : i32
      %add3A_135 = arith.addi %add3A_126, %add3A_134 : i32
      %swap3A_136 = arith.index_cast %add3A_135 : i32 to index
      %swap3A_137 = tpu.vector_load %arg6[%swap3A_136] {strides = array<i32>} : memref<32768xf32, #tpu.memory_space<vmem>>, vector<16xf32>,
      %swap3A_138 = vector.shape_cast %swap3A_137 : vector<16xf32> to vector<16xf32>
      %swap3A_139 = vector.shape_cast %select_n3A_133 : vector<16xf32> to vector<16xf32>
      tpu.vector_store %arg6[%swap3A_136], %swap3A_139 {strides = array<i32>} : memref<32768xf32, #tpu.memory_space<vmem>>, vector<16xf32>,
      %eq3A_140 = arith.cmpi eq, %get3A_119, %broadcast_in_dim3A_11 : vector<16xi32>
      %select_n3A_141 = arith.select %eq3A_140, %broadcast_in_dim3A_3, %broadcast_in_dim3A_5 : vector<16xi1>, vector<16xf32>
      %add3A_142 = arith.constant 256 : i32
      %add3A_143 = arith.addi %add3A_126, %add3A_142 : i32
      %swap3A_144 = arith.index_cast %add3A_143 : i32 to index
      %swap3A_145 = tpu.vector_load %arg6[%swap3A_144] {strides = array<i32>} : memref<32768xf32, #tpu.memory_space<vmem>>, vector<16xf32>,
      %swap3A_146 = vector.shape_cast %swap3A_145 : vector<16xf32> to vector<16xf32>
      %swap3A_147 = vector.shape_cast %select_n3A_141 : vector<16xf32> to vector<16xf32>
      tpu.vector_store %arg6[%swap3A_144], %swap3A_147 {strides = array<i32>} : memref<32768xf32, #tpu.memory_space<vmem>>, vector<16xf32>,
      %eq3A_148 = arith.cmpi eq, %get3A_119, %broadcast_in_dim3A_13 : vector<16xi32>
      %select_n3A_149 = arith.select %eq3A_148, %broadcast_in_dim3A_3, %broadcast_in_dim3A_5 : vector<16xi1>, vector<16xf32>
      %add3A_150 = arith.constant 384 : i32
      %add3A_151 = arith.addi %add3A_126, %add3A_150 : i32
      %swap3A_152 = arith.index_cast %add3A_151 : i32 to index
      %swap3A_153 = tpu.vector_load %arg6[%swap3A_152] {strides = array<i32>} : memref<32768xf32, #tpu.memory_space<vmem>>, vector<16xf32>,
      %swap3A_154 = vector.shape_cast %swap3A_153 : vector<16xf32> to vector<16xf32>
      %swap3A_155 = vector.shape_cast %select_n3A_149 : vector<16xf32> to vector<16xf32>
      tpu.vector_store %arg6[%swap3A_152], %swap3A_155 {strides = array<i32>} : memref<32768xf32, #tpu.memory_space<vmem>>, vector<16xf32>,
      %scan3A_156 = arith.constant 1 : i32
      %scan3A_157 = arith.addi %scan3A_115, %scan3A_156 : i32
      %mul3A_158 = arith.constant 16 : i32
      %mul3A_159 = arith.muli %scan3A_157, %mul3A_158 : i32
      %get3A_160 = arith.index_cast %mul3A_159 : i32 to index
      %get3A_161 = tpu.vector_load %arg4[%get3A_160] {strides = array<i32>} : memref<8192xi32, #tpu.memory_space<vmem>>, vector<16xi32>,
      %get3A_162 = vector.shape_cast %get3A_161 : vector<16xi32> to vector<16xi32>
      %shift_right_arithmetic3A_163 = arith.constant 3 : i32
      %shift_right_arithmetic3A_164 = arith.shrsi %scan3A_157, %shift_right_arithmetic3A_163 : i32
      %mul3A_165 = arith.constant 512 : i32
      %mul3A_166 = arith.muli %shift_right_arithmetic3A_164, %mul3A_165 : i32
      %and3A_167 = arith.constant 7 : i32
      %and3A_168 = arith.andi %scan3A_157, %and3A_167 : i32
      %mul3A_169 = arith.constant 16 : i32
      %mul3A_170 = arith.muli %and3A_168, %mul3A_169 : i32
      %add3A_171 = arith.addi %mul3A_166, %mul3A_170 : i32
      %eq3A_172 = arith.cmpi eq, %get3A_162, %broadcast_in_dim3A_7 : vector<16xi32>
      %select_n3A_173 = arith.select %eq3A_172, %broadcast_in_dim3A_3, %broadcast_in_dim3A_5 : vector<16xi1>, vector<16xf32>
      %add3A_174 = arith.constant 0 : i32
      %add3A_175 = arith.addi %add3A_171, %add3A_174 : i32
      %swap3A_176 = arith.index_cast %add3A_175 : i32 to index
      %swap3A_177 = tpu.vector_load %arg6[%swap3A_176] {strides = array<i32>} : memref<32768xf32, #tpu.memory_space<vmem>>, vector<16xf32>,
      %swap3A_178 = vector.shape_cast %swap3A_177 : vector<16xf32> to vector<16xf32>
      %swap3A_179 = vector.shape_cast %select_n3A_173 : vector<16xf32> to vector<16xf32>
      tpu.vector_store %arg6[%swap3A_176], %swap3A_179 {strides = array<i32>} : memref<32768xf32, #tpu.memory_space<vmem>>, vector<16xf32>,
      %eq3A_180 = arith.cmpi eq, %get3A_162, %broadcast_in_dim3A_9 : vector<16xi32>
      %select_n3A_181 = arith.select %eq3A_180, %broadcast_in_dim3A_3, %broadcast_in_dim3A_5 : vector<16xi1>, vector<16xf32>
      %add3A_182 = arith.constant 128 : i32
      %add3A_183 = arith.addi %add3A_171, %add3A_182 : i32
      %swap3A_184 = arith.index_cast %add3A_183 : i32 to index
      %swap3A_185 = tpu.vector_load %arg6[%swap3A_184] {strides = array<i32>} : memref<32768xf32, #tpu.memory_space<vmem>>, vector<16xf32>,
      %swap3A_186 = vector.shape_cast %swap3A_185 : vector<16xf32> to vector<16xf32>
      %swap3A_187 = vector.shape_cast %select_n3A_181 : vector<16xf32> to vector<16xf32>
      tpu.vector_store %arg6[%swap3A_184], %swap3A_187 {strides = array<i32>} : memref<32768xf32, #tpu.memory_space<vmem>>, vector<16xf32>,
      %eq3A_188 = arith.cmpi eq, %get3A_162, %broadcast_in_dim3A_11 : vector<16xi32>
      %select_n3A_189 = arith.select %eq3A_188, %broadcast_in_dim3A_3, %broadcast_in_dim3A_5 : vector<16xi1>, vector<16xf32>
      %add3A_190 = arith.constant 256 : i32
      %add3A_191 = arith.addi %add3A_171, %add3A_190 : i32
      %swap3A_192 = arith.index_cast %add3A_191 : i32 to index
      %swap3A_193 = tpu.vector_load %arg6[%swap3A_192] {strides = array<i32>} : memref<32768xf32, #tpu.memory_space<vmem>>, vector<16xf32>,
      %swap3A_194 = vector.shape_cast %swap3A_193 : vector<16xf32> to vector<16xf32>
      %swap3A_195 = vector.shape_cast %select_n3A_189 : vector<16xf32> to vector<16xf32>
      tpu.vector_store %arg6[%swap3A_192], %swap3A_195 {strides = array<i32>} : memref<32768xf32, #tpu.memory_space<vmem>>, vector<16xf32>,
      %eq3A_196 = arith.cmpi eq, %get3A_162, %broadcast_in_dim3A_13 : vector<16xi32>
      %select_n3A_197 = arith.select %eq3A_196, %broadcast_in_dim3A_3, %broadcast_in_dim3A_5 : vector<16xi1>, vector<16xf32>
      %add3A_198 = arith.constant 384 : i32
      %add3A_199 = arith.addi %add3A_171, %add3A_198 : i32
      %swap3A_200 = arith.index_cast %add3A_199 : i32 to index
      %swap3A_201 = tpu.vector_load %arg6[%swap3A_200] {strides = array<i32>} : memref<32768xf32, #tpu.memory_space<vmem>>, vector<16xf32>,
      %swap3A_202 = vector.shape_cast %swap3A_201 : vector<16xf32> to vector<16xf32>
      %swap3A_203 = vector.shape_cast %select_n3A_197 : vector<16xf32> to vector<16xf32>
      tpu.vector_store %arg6[%swap3A_200], %swap3A_203 {strides = array<i32>} : memref<32768xf32, #tpu.memory_space<vmem>>, vector<16xf32>,
      %scan3A_204 = arith.constant 2 : i32
      %scan3A_205 = arith.addi %scan3A_115, %scan3A_204 : i32
      %mul3A_206 = arith.constant 16 : i32
      %mul3A_207 = arith.muli %scan3A_205, %mul3A_206 : i32
      %get3A_208 = arith.index_cast %mul3A_207 : i32 to index
      %get3A_209 = tpu.vector_load %arg4[%get3A_208] {strides = array<i32>} : memref<8192xi32, #tpu.memory_space<vmem>>, vector<16xi32>,
      %get3A_210 = vector.shape_cast %get3A_209 : vector<16xi32> to vector<16xi32>
      %shift_right_arithmetic3A_211 = arith.constant 3 : i32
      %shift_right_arithmetic3A_212 = arith.shrsi %scan3A_205, %shift_right_arithmetic3A_211 : i32
      %mul3A_213 = arith.constant 512 : i32
      %mul3A_214 = arith.muli %shift_right_arithmetic3A_212, %mul3A_213 : i32
      %and3A_215 = arith.constant 7 : i32
      %and3A_216 = arith.andi %scan3A_205, %and3A_215 : i32
      %mul3A_217 = arith.constant 16 : i32
      %mul3A_218 = arith.muli %and3A_216, %mul3A_217 : i32
      %add3A_219 = arith.addi %mul3A_214, %mul3A_218 : i32
      %eq3A_220 = arith.cmpi eq, %get3A_210, %broadcast_in_dim3A_7 : vector<16xi32>
      %select_n3A_221 = arith.select %eq3A_220, %broadcast_in_dim3A_3, %broadcast_in_dim3A_5 : vector<16xi1>, vector<16xf32>
      %add3A_222 = arith.constant 0 : i32
      %add3A_223 = arith.addi %add3A_219, %add3A_222 : i32
      %swap3A_224 = arith.index_cast %add3A_223 : i32 to index
      %swap3A_225 = tpu.vector_load %arg6[%swap3A_224] {strides = array<i32>} : memref<32768xf32, #tpu.memory_space<vmem>>, vector<16xf32>,
      %swap3A_226 = vector.shape_cast %swap3A_225 : vector<16xf32> to vector<16xf32>
      %swap3A_227 = vector.shape_cast %select_n3A_221 : vector<16xf32> to vector<16xf32>
      tpu.vector_store %arg6[%swap3A_224], %swap3A_227 {strides = array<i32>} : memref<32768xf32, #tpu.memory_space<vmem>>, vector<16xf32>,
      %eq3A_228 = arith.cmpi eq, %get3A_210, %broadcast_in_dim3A_9 : vector<16xi32>
      %select_n3A_229 = arith.select %eq3A_228, %broadcast_in_dim3A_3, %broadcast_in_dim3A_5 : vector<16xi1>, vector<16xf32>
      %add3A_230 = arith.constant 128 : i32
      %add3A_231 = arith.addi %add3A_219, %add3A_230 : i32
      %swap3A_232 = arith.index_cast %add3A_231 : i32 to index
      %swap3A_233 = tpu.vector_load %arg6[%swap3A_232] {strides = array<i32>} : memref<32768xf32, #tpu.memory_space<vmem>>, vector<16xf32>,
      %swap3A_234 = vector.shape_cast %swap3A_233 : vector<16xf32> to vector<16xf32>
      %swap3A_235 = vector.shape_cast %select_n3A_229 : vector<16xf32> to vector<16xf32>
      tpu.vector_store %arg6[%swap3A_232], %swap3A_235 {strides = array<i32>} : memref<32768xf32, #tpu.memory_space<vmem>>, vector<16xf32>,
      %eq3A_236 = arith.cmpi eq, %get3A_210, %broadcast_in_dim3A_11 : vector<16xi32>
      %select_n3A_237 = arith.select %eq3A_236, %broadcast_in_dim3A_3, %broadcast_in_dim3A_5 : vector<16xi1>, vector<16xf32>
      %add3A_238 = arith.constant 256 : i32
      %add3A_239 = arith.addi %add3A_219, %add3A_238 : i32
      %swap3A_240 = arith.index_cast %add3A_239 : i32 to index
      %swap3A_241 = tpu.vector_load %arg6[%swap3A_240] {strides = array<i32>} : memref<32768xf32, #tpu.memory_space<vmem>>, vector<16xf32>,
      %swap3A_242 = vector.shape_cast %swap3A_241 : vector<16xf32> to vector<16xf32>
      %swap3A_243 = vector.shape_cast %select_n3A_237 : vector<16xf32> to vector<16xf32>
      tpu.vector_store %arg6[%swap3A_240], %swap3A_243 {strides = array<i32>} : memref<32768xf32, #tpu.memory_space<vmem>>, vector<16xf32>,
      %eq3A_244 = arith.cmpi eq, %get3A_210, %broadcast_in_dim3A_13 : vector<16xi32>
      %select_n3A_245 = arith.select %eq3A_244, %broadcast_in_dim3A_3, %broadcast_in_dim3A_5 : vector<16xi1>, vector<16xf32>
      %add3A_246 = arith.constant 384 : i32
      %add3A_247 = arith.addi %add3A_219, %add3A_246 : i32
      %swap3A_248 = arith.index_cast %add3A_247 : i32 to index
      %swap3A_249 = tpu.vector_load %arg6[%swap3A_248] {strides = array<i32>} : memref<32768xf32, #tpu.memory_space<vmem>>, vector<16xf32>,
      %swap3A_250 = vector.shape_cast %swap3A_249 : vector<16xf32> to vector<16xf32>
      %swap3A_251 = vector.shape_cast %select_n3A_245 : vector<16xf32> to vector<16xf32>
      tpu.vector_store %arg6[%swap3A_248], %swap3A_251 {strides = array<i32>} : memref<32768xf32, #tpu.memory_space<vmem>>, vector<16xf32>,
      %scan3A_252 = arith.constant 3 : i32
      %scan3A_253 = arith.addi %scan3A_115, %scan3A_252 : i32
      %mul3A_254 = arith.constant 16 : i32
      %mul3A_255 = arith.muli %scan3A_253, %mul3A_254 : i32
      %get3A_256 = arith.index_cast %mul3A_255 : i32 to index
      %get3A_257 = tpu.vector_load %arg4[%get3A_256] {strides = array<i32>} : memref<8192xi32, #tpu.memory_space<vmem>>, vector<16xi32>,
      %get3A_258 = vector.shape_cast %get3A_257 : vector<16xi32> to vector<16xi32>
      %shift_right_arithmetic3A_259 = arith.constant 3 : i32
      %shift_right_arithmetic3A_260 = arith.shrsi %scan3A_253, %shift_right_arithmetic3A_259 : i32
      %mul3A_261 = arith.constant 512 : i32
      %mul3A_262 = arith.muli %shift_right_arithmetic3A_260, %mul3A_261 : i32
      %and3A_263 = arith.constant 7 : i32
      %and3A_264 = arith.andi %scan3A_253, %and3A_263 : i32
      %mul3A_265 = arith.constant 16 : i32
      %mul3A_266 = arith.muli %and3A_264, %mul3A_265 : i32
      %add3A_267 = arith.addi %mul3A_262, %mul3A_266 : i32
      %eq3A_268 = arith.cmpi eq, %get3A_258, %broadcast_in_dim3A_7 : vector<16xi32>
      %select_n3A_269 = arith.select %eq3A_268, %broadcast_in_dim3A_3, %broadcast_in_dim3A_5 : vector<16xi1>, vector<16xf32>
      %add3A_270 = arith.constant 0 : i32
      %add3A_271 = arith.addi %add3A_267, %add3A_270 : i32
      %swap3A_272 = arith.index_cast %add3A_271 : i32 to index
      %swap3A_273 = tpu.vector_load %arg6[%swap3A_272] {strides = array<i32>} : memref<32768xf32, #tpu.memory_space<vmem>>, vector<16xf32>,
      %swap3A_274 = vector.shape_cast %swap3A_273 : vector<16xf32> to vector<16xf32>
      %swap3A_275 = vector.shape_cast %select_n3A_269 : vector<16xf32> to vector<16xf32>
      tpu.vector_store %arg6[%swap3A_272], %swap3A_275 {strides = array<i32>} : memref<32768xf32, #tpu.memory_space<vmem>>, vector<16xf32>,
      %eq3A_276 = arith.cmpi eq, %get3A_258, %broadcast_in_dim3A_9 : vector<16xi32>
      %select_n3A_277 = arith.select %eq3A_276, %broadcast_in_dim3A_3, %broadcast_in_dim3A_5 : vector<16xi1>, vector<16xf32>
      %add3A_278 = arith.constant 128 : i32
      %add3A_279 = arith.addi %add3A_267, %add3A_278 : i32
      %swap3A_280 = arith.index_cast %add3A_279 : i32 to index
      %swap3A_281 = tpu.vector_load %arg6[%swap3A_280] {strides = array<i32>} : memref<32768xf32, #tpu.memory_space<vmem>>, vector<16xf32>,
      %swap3A_282 = vector.shape_cast %swap3A_281 : vector<16xf32> to vector<16xf32>
      %swap3A_283 = vector.shape_cast %select_n3A_277 : vector<16xf32> to vector<16xf32>
      tpu.vector_store %arg6[%swap3A_280], %swap3A_283 {strides = array<i32>} : memref<32768xf32, #tpu.memory_space<vmem>>, vector<16xf32>,
      %eq3A_284 = arith.cmpi eq, %get3A_258, %broadcast_in_dim3A_11 : vector<16xi32>
      %select_n3A_285 = arith.select %eq3A_284, %broadcast_in_dim3A_3, %broadcast_in_dim3A_5 : vector<16xi1>, vector<16xf32>
      %add3A_286 = arith.constant 256 : i32
      %add3A_287 = arith.addi %add3A_267, %add3A_286 : i32
      %swap3A_288 = arith.index_cast %add3A_287 : i32 to index
      %swap3A_289 = tpu.vector_load %arg6[%swap3A_288] {strides = array<i32>} : memref<32768xf32, #tpu.memory_space<vmem>>, vector<16xf32>,
      %swap3A_290 = vector.shape_cast %swap3A_289 : vector<16xf32> to vector<16xf32>
      %swap3A_291 = vector.shape_cast %select_n3A_285 : vector<16xf32> to vector<16xf32>
      tpu.vector_store %arg6[%swap3A_288], %swap3A_291 {strides = array<i32>} : memref<32768xf32, #tpu.memory_space<vmem>>, vector<16xf32>,
      %eq3A_292 = arith.cmpi eq, %get3A_258, %broadcast_in_dim3A_13 : vector<16xi32>
      %select_n3A_293 = arith.select %eq3A_292, %broadcast_in_dim3A_3, %broadcast_in_dim3A_5 : vector<16xi1>, vector<16xf32>
      %add3A_294 = arith.constant 384 : i32
      %add3A_295 = arith.addi %add3A_267, %add3A_294 : i32
      %swap3A_296 = arith.index_cast %add3A_295 : i32 to index
      %swap3A_297 = tpu.vector_load %arg6[%swap3A_296] {strides = array<i32>} : memref<32768xf32, #tpu.memory_space<vmem>>, vector<16xf32>,
      %swap3A_298 = vector.shape_cast %swap3A_297 : vector<16xf32> to vector<16xf32>
      %swap3A_299 = vector.shape_cast %select_n3A_293 : vector<16xf32> to vector<16xf32>
      tpu.vector_store %arg6[%swap3A_296], %swap3A_299 {strides = array<i32>} : memref<32768xf32, #tpu.memory_space<vmem>>, vector<16xf32>,
    }
    %scan3A_28 = arith.constant 512 : i32
    %add3A_29 = arith.constant 0 : i32
    %add3A_30 = arith.addi %mul3A_2, %add3A_29 : i32
    %mul3A_31 = arith.constant 4 : i32
    %mul3A_32 = arith.muli %add3A_30, %mul3A_31 : i32
    %dma_start3A_33 = tpu.memref_slice %arg3[%mul3A_32] : memref<4194304xf32, #tpu.memory_space<hbm>> -> memref<32768xf32, #tpu.memory_space<hbm>>
    %dma_start3A_34 = tpu.memref_slice %arg3[%mul3A_32] : memref<4194304xf32, #tpu.memory_space<hbm>> -> memref<32768xf32, #tpu.memory_space<hbm>>
    tpu.enqueue_dma source(%arg6 : memref<32768xf32, #tpu.memory_space<vmem>>) target(%dma_start3A_34 : memref<32768xf32, #tpu.memory_space<hbm>>) target_semaphore(%arg10 : memref<!tpu.dma_semaphore, #tpu.memory_space<semaphore_mem>>)
    %add3A_35 = arith.constant 16384 : i32
    %add3A_36 = arith.addi %mul3A_2, %add3A_35 : i32
    %dma_start3A_37 = tpu.memref_slice %arg2[%add3A_36] : memref<1048576xi32, #tpu.memory_space<hbm>> -> memref<8192xi32, #tpu.memory_space<hbm>>
    %dma_start3A_38 = tpu.memref_slice %arg2[%add3A_36] : memref<1048576xi32, #tpu.memory_space<hbm>> -> memref<8192xi32, #tpu.memory_space<hbm>>
    tpu.enqueue_dma source(%dma_start3A_38 : memref<8192xi32, #tpu.memory_space<hbm>>) target(%arg4 : memref<8192xi32, #tpu.memory_space<vmem>>) target_semaphore(%arg8 : memref<!tpu.dma_semaphore, #tpu.memory_space<semaphore_mem>>)
    %add3A_39 = arith.constant 8192 : i32
    %add3A_40 = arith.addi %mul3A_2, %add3A_39 : i32
    %dma_wait3A_41 = tpu.memref_slice %arg2[%add3A_40] : memref<1048576xi32, #tpu.memory_space<hbm>> -> memref<8192xi32, #tpu.memory_space<hbm>>
    %dma_wait3A_42 = tpu.memref_slice %arg2[%add3A_40] : memref<1048576xi32, #tpu.memory_space<hbm>> -> memref<8192xi32, #tpu.memory_space<hbm>>
    tpu.wait_dma2 semaphore(%arg9 : memref<!tpu.dma_semaphore, #tpu.memory_space<semaphore_mem>>) src(%dma_wait3A_42 : memref<8192xi32, #tpu.memory_space<hbm>>) dst(%arg5 : memref<8192xi32, #tpu.memory_space<vmem>>)
    %scan3A_43 = arith.constant 0 : i32
    %scan3A_44 = arith.constant 0 : i32
    %scan3A_45 = arith.constant 512 : i32
    %scan3A_46 = arith.addi %scan3A_44, %scan3A_45 : i32
    %scan3A_47 = arith.constant 4 : i32
    scf.for %scan3A_115 = %scan3A_44 to %scan3A_46 step %scan3A_47  : i32 {
      %mul3A_116 = arith.constant 16 : i32
      %mul3A_117 = arith.muli %scan3A_115, %mul3A_116 : i32
      %get3A = arith.index_cast %mul3A_117 : i32 to index
      %get3A_118 = tpu.vector_load %arg5[%get3A] {strides = array<i32>} : memref<8192xi32, #tpu.memory_space<vmem>>, vector<16xi32>,
      %get3A_119 = vector.shape_cast %get3A_118 : vector<16xi32> to vector<16xi32>
      %shift_right_arithmetic3A = arith.constant 3 : i32
      %shift_right_arithmetic3A_120 = arith.shrsi %scan3A_115, %shift_right_arithmetic3A : i32
      %mul3A_121 = arith.constant 512 : i32
      %mul3A_122 = arith.muli %shift_right_arithmetic3A_120, %mul3A_121 : i32
      %and3A = arith.constant 7 : i32
      %and3A_123 = arith.andi %scan3A_115, %and3A : i32
      %mul3A_124 = arith.constant 16 : i32
      %mul3A_125 = arith.muli %and3A_123, %mul3A_124 : i32
      %add3A_126 = arith.addi %mul3A_122, %mul3A_125 : i32
      %eq3A = arith.cmpi eq, %get3A_119, %broadcast_in_dim3A_7 : vector<16xi32>
      %select_n3A = arith.select %eq3A, %broadcast_in_dim3A_3, %broadcast_in_dim3A_5 : vector<16xi1>, vector<16xf32>
      %add3A_127 = arith.constant 0 : i32
      %add3A_128 = arith.addi %add3A_126, %add3A_127 : i32
      %swap3A = arith.index_cast %add3A_128 : i32 to index
      %swap3A_129 = tpu.vector_load %arg7[%swap3A] {strides = array<i32>} : memref<32768xf32, #tpu.memory_space<vmem>>, vector<16xf32>,
      %swap3A_130 = vector.shape_cast %swap3A_129 : vector<16xf32> to vector<16xf32>
      %swap3A_131 = vector.shape_cast %select_n3A : vector<16xf32> to vector<16xf32>
      tpu.vector_store %arg7[%swap3A], %swap3A_131 {strides = array<i32>} : memref<32768xf32, #tpu.memory_space<vmem>>, vector<16xf32>,
      %eq3A_132 = arith.cmpi eq, %get3A_119, %broadcast_in_dim3A_9 : vector<16xi32>
      %select_n3A_133 = arith.select %eq3A_132, %broadcast_in_dim3A_3, %broadcast_in_dim3A_5 : vector<16xi1>, vector<16xf32>
      %add3A_134 = arith.constant 128 : i32
      %add3A_135 = arith.addi %add3A_126, %add3A_134 : i32
      %swap3A_136 = arith.index_cast %add3A_135 : i32 to index
      %swap3A_137 = tpu.vector_load %arg7[%swap3A_136] {strides = array<i32>} : memref<32768xf32, #tpu.memory_space<vmem>>, vector<16xf32>,
      %swap3A_138 = vector.shape_cast %swap3A_137 : vector<16xf32> to vector<16xf32>
      %swap3A_139 = vector.shape_cast %select_n3A_133 : vector<16xf32> to vector<16xf32>
      tpu.vector_store %arg7[%swap3A_136], %swap3A_139 {strides = array<i32>} : memref<32768xf32, #tpu.memory_space<vmem>>, vector<16xf32>,
      %eq3A_140 = arith.cmpi eq, %get3A_119, %broadcast_in_dim3A_11 : vector<16xi32>
      %select_n3A_141 = arith.select %eq3A_140, %broadcast_in_dim3A_3, %broadcast_in_dim3A_5 : vector<16xi1>, vector<16xf32>
      %add3A_142 = arith.constant 256 : i32
      %add3A_143 = arith.addi %add3A_126, %add3A_142 : i32
      %swap3A_144 = arith.index_cast %add3A_143 : i32 to index
      %swap3A_145 = tpu.vector_load %arg7[%swap3A_144] {strides = array<i32>} : memref<32768xf32, #tpu.memory_space<vmem>>, vector<16xf32>,
      %swap3A_146 = vector.shape_cast %swap3A_145 : vector<16xf32> to vector<16xf32>
      %swap3A_147 = vector.shape_cast %select_n3A_141 : vector<16xf32> to vector<16xf32>
      tpu.vector_store %arg7[%swap3A_144], %swap3A_147 {strides = array<i32>} : memref<32768xf32, #tpu.memory_space<vmem>>, vector<16xf32>,
      %eq3A_148 = arith.cmpi eq, %get3A_119, %broadcast_in_dim3A_13 : vector<16xi32>
      %select_n3A_149 = arith.select %eq3A_148, %broadcast_in_dim3A_3, %broadcast_in_dim3A_5 : vector<16xi1>, vector<16xf32>
      %add3A_150 = arith.constant 384 : i32
      %add3A_151 = arith.addi %add3A_126, %add3A_150 : i32
      %swap3A_152 = arith.index_cast %add3A_151 : i32 to index
      %swap3A_153 = tpu.vector_load %arg7[%swap3A_152] {strides = array<i32>} : memref<32768xf32, #tpu.memory_space<vmem>>, vector<16xf32>,
      %swap3A_154 = vector.shape_cast %swap3A_153 : vector<16xf32> to vector<16xf32>
      %swap3A_155 = vector.shape_cast %select_n3A_149 : vector<16xf32> to vector<16xf32>
      tpu.vector_store %arg7[%swap3A_152], %swap3A_155 {strides = array<i32>} : memref<32768xf32, #tpu.memory_space<vmem>>, vector<16xf32>,
      %scan3A_156 = arith.constant 1 : i32
      %scan3A_157 = arith.addi %scan3A_115, %scan3A_156 : i32
      %mul3A_158 = arith.constant 16 : i32
      %mul3A_159 = arith.muli %scan3A_157, %mul3A_158 : i32
      %get3A_160 = arith.index_cast %mul3A_159 : i32 to index
      %get3A_161 = tpu.vector_load %arg5[%get3A_160] {strides = array<i32>} : memref<8192xi32, #tpu.memory_space<vmem>>, vector<16xi32>,
      %get3A_162 = vector.shape_cast %get3A_161 : vector<16xi32> to vector<16xi32>
      %shift_right_arithmetic3A_163 = arith.constant 3 : i32
      %shift_right_arithmetic3A_164 = arith.shrsi %scan3A_157, %shift_right_arithmetic3A_163 : i32
      %mul3A_165 = arith.constant 512 : i32
      %mul3A_166 = arith.muli %shift_right_arithmetic3A_164, %mul3A_165 : i32
      %and3A_167 = arith.constant 7 : i32
      %and3A_168 = arith.andi %scan3A_157, %and3A_167 : i32
      %mul3A_169 = arith.constant 16 : i32
      %mul3A_170 = arith.muli %and3A_168, %mul3A_169 : i32
      %add3A_171 = arith.addi %mul3A_166, %mul3A_170 : i32
      %eq3A_172 = arith.cmpi eq, %get3A_162, %broadcast_in_dim3A_7 : vector<16xi32>
      %select_n3A_173 = arith.select %eq3A_172, %broadcast_in_dim3A_3, %broadcast_in_dim3A_5 : vector<16xi1>, vector<16xf32>
      %add3A_174 = arith.constant 0 : i32
      %add3A_175 = arith.addi %add3A_171, %add3A_174 : i32
      %swap3A_176 = arith.index_cast %add3A_175 : i32 to index
      %swap3A_177 = tpu.vector_load %arg7[%swap3A_176] {strides = array<i32>} : memref<32768xf32, #tpu.memory_space<vmem>>, vector<16xf32>,
      %swap3A_178 = vector.shape_cast %swap3A_177 : vector<16xf32> to vector<16xf32>
      %swap3A_179 = vector.shape_cast %select_n3A_173 : vector<16xf32> to vector<16xf32>
      tpu.vector_store %arg7[%swap3A_176], %swap3A_179 {strides = array<i32>} : memref<32768xf32, #tpu.memory_space<vmem>>, vector<16xf32>,
      %eq3A_180 = arith.cmpi eq, %get3A_162, %broadcast_in_dim3A_9 : vector<16xi32>
      %select_n3A_181 = arith.select %eq3A_180, %broadcast_in_dim3A_3, %broadcast_in_dim3A_5 : vector<16xi1>, vector<16xf32>
      %add3A_182 = arith.constant 128 : i32
      %add3A_183 = arith.addi %add3A_171, %add3A_182 : i32
      %swap3A_184 = arith.index_cast %add3A_183 : i32 to index
      %swap3A_185 = tpu.vector_load %arg7[%swap3A_184] {strides = array<i32>} : memref<32768xf32, #tpu.memory_space<vmem>>, vector<16xf32>,
      %swap3A_186 = vector.shape_cast %swap3A_185 : vector<16xf32> to vector<16xf32>
      %swap3A_187 = vector.shape_cast %select_n3A_181 : vector<16xf32> to vector<16xf32>
      tpu.vector_store %arg7[%swap3A_184], %swap3A_187 {strides = array<i32>} : memref<32768xf32, #tpu.memory_space<vmem>>, vector<16xf32>,
      %eq3A_188 = arith.cmpi eq, %get3A_162, %broadcast_in_dim3A_11 : vector<16xi32>
      %select_n3A_189 = arith.select %eq3A_188, %broadcast_in_dim3A_3, %broadcast_in_dim3A_5 : vector<16xi1>, vector<16xf32>
      %add3A_190 = arith.constant 256 : i32
      %add3A_191 = arith.addi %add3A_171, %add3A_190 : i32
      %swap3A_192 = arith.index_cast %add3A_191 : i32 to index
      %swap3A_193 = tpu.vector_load %arg7[%swap3A_192] {strides = array<i32>} : memref<32768xf32, #tpu.memory_space<vmem>>, vector<16xf32>,
      %swap3A_194 = vector.shape_cast %swap3A_193 : vector<16xf32> to vector<16xf32>
      %swap3A_195 = vector.shape_cast %select_n3A_189 : vector<16xf32> to vector<16xf32>
      tpu.vector_store %arg7[%swap3A_192], %swap3A_195 {strides = array<i32>} : memref<32768xf32, #tpu.memory_space<vmem>>, vector<16xf32>,
      %eq3A_196 = arith.cmpi eq, %get3A_162, %broadcast_in_dim3A_13 : vector<16xi32>
      %select_n3A_197 = arith.select %eq3A_196, %broadcast_in_dim3A_3, %broadcast_in_dim3A_5 : vector<16xi1>, vector<16xf32>
      %add3A_198 = arith.constant 384 : i32
      %add3A_199 = arith.addi %add3A_171, %add3A_198 : i32
      %swap3A_200 = arith.index_cast %add3A_199 : i32 to index
      %swap3A_201 = tpu.vector_load %arg7[%swap3A_200] {strides = array<i32>} : memref<32768xf32, #tpu.memory_space<vmem>>, vector<16xf32>,
      %swap3A_202 = vector.shape_cast %swap3A_201 : vector<16xf32> to vector<16xf32>
      %swap3A_203 = vector.shape_cast %select_n3A_197 : vector<16xf32> to vector<16xf32>
      tpu.vector_store %arg7[%swap3A_200], %swap3A_203 {strides = array<i32>} : memref<32768xf32, #tpu.memory_space<vmem>>, vector<16xf32>,
      %scan3A_204 = arith.constant 2 : i32
      %scan3A_205 = arith.addi %scan3A_115, %scan3A_204 : i32
      %mul3A_206 = arith.constant 16 : i32
      %mul3A_207 = arith.muli %scan3A_205, %mul3A_206 : i32
      %get3A_208 = arith.index_cast %mul3A_207 : i32 to index
      %get3A_209 = tpu.vector_load %arg5[%get3A_208] {strides = array<i32>} : memref<8192xi32, #tpu.memory_space<vmem>>, vector<16xi32>,
      %get3A_210 = vector.shape_cast %get3A_209 : vector<16xi32> to vector<16xi32>
      %shift_right_arithmetic3A_211 = arith.constant 3 : i32
      %shift_right_arithmetic3A_212 = arith.shrsi %scan3A_205, %shift_right_arithmetic3A_211 : i32
      %mul3A_213 = arith.constant 512 : i32
      %mul3A_214 = arith.muli %shift_right_arithmetic3A_212, %mul3A_213 : i32
      %and3A_215 = arith.constant 7 : i32
      %and3A_216 = arith.andi %scan3A_205, %and3A_215 : i32
      %mul3A_217 = arith.constant 16 : i32
      %mul3A_218 = arith.muli %and3A_216, %mul3A_217 : i32
      %add3A_219 = arith.addi %mul3A_214, %mul3A_218 : i32
      %eq3A_220 = arith.cmpi eq, %get3A_210, %broadcast_in_dim3A_7 : vector<16xi32>
      %select_n3A_221 = arith.select %eq3A_220, %broadcast_in_dim3A_3, %broadcast_in_dim3A_5 : vector<16xi1>, vector<16xf32>
      %add3A_222 = arith.constant 0 : i32
      %add3A_223 = arith.addi %add3A_219, %add3A_222 : i32
      %swap3A_224 = arith.index_cast %add3A_223 : i32 to index
      %swap3A_225 = tpu.vector_load %arg7[%swap3A_224] {strides = array<i32>} : memref<32768xf32, #tpu.memory_space<vmem>>, vector<16xf32>,
      %swap3A_226 = vector.shape_cast %swap3A_225 : vector<16xf32> to vector<16xf32>
      %swap3A_227 = vector.shape_cast %select_n3A_221 : vector<16xf32> to vector<16xf32>
      tpu.vector_store %arg7[%swap3A_224], %swap3A_227 {strides = array<i32>} : memref<32768xf32, #tpu.memory_space<vmem>>, vector<16xf32>,
      %eq3A_228 = arith.cmpi eq, %get3A_210, %broadcast_in_dim3A_9 : vector<16xi32>
      %select_n3A_229 = arith.select %eq3A_228, %broadcast_in_dim3A_3, %broadcast_in_dim3A_5 : vector<16xi1>, vector<16xf32>
      %add3A_230 = arith.constant 128 : i32
      %add3A_231 = arith.addi %add3A_219, %add3A_230 : i32
      %swap3A_232 = arith.index_cast %add3A_231 : i32 to index
      %swap3A_233 = tpu.vector_load %arg7[%swap3A_232] {strides = array<i32>} : memref<32768xf32, #tpu.memory_space<vmem>>, vector<16xf32>,
      %swap3A_234 = vector.shape_cast %swap3A_233 : vector<16xf32> to vector<16xf32>
      %swap3A_235 = vector.shape_cast %select_n3A_229 : vector<16xf32> to vector<16xf32>
      tpu.vector_store %arg7[%swap3A_232], %swap3A_235 {strides = array<i32>} : memref<32768xf32, #tpu.memory_space<vmem>>, vector<16xf32>,
      %eq3A_236 = arith.cmpi eq, %get3A_210, %broadcast_in_dim3A_11 : vector<16xi32>
      %select_n3A_237 = arith.select %eq3A_236, %broadcast_in_dim3A_3, %broadcast_in_dim3A_5 : vector<16xi1>, vector<16xf32>
      %add3A_238 = arith.constant 256 : i32
      %add3A_239 = arith.addi %add3A_219, %add3A_238 : i32
      %swap3A_240 = arith.index_cast %add3A_239 : i32 to index
      %swap3A_241 = tpu.vector_load %arg7[%swap3A_240] {strides = array<i32>} : memref<32768xf32, #tpu.memory_space<vmem>>, vector<16xf32>,
      %swap3A_242 = vector.shape_cast %swap3A_241 : vector<16xf32> to vector<16xf32>
      %swap3A_243 = vector.shape_cast %select_n3A_237 : vector<16xf32> to vector<16xf32>
      tpu.vector_store %arg7[%swap3A_240], %swap3A_243 {strides = array<i32>} : memref<32768xf32, #tpu.memory_space<vmem>>, vector<16xf32>,
      %eq3A_244 = arith.cmpi eq, %get3A_210, %broadcast_in_dim3A_13 : vector<16xi32>
      %select_n3A_245 = arith.select %eq3A_244, %broadcast_in_dim3A_3, %broadcast_in_dim3A_5 : vector<16xi1>, vector<16xf32>
      %add3A_246 = arith.constant 384 : i32
      %add3A_247 = arith.addi %add3A_219, %add3A_246 : i32
      %swap3A_248 = arith.index_cast %add3A_247 : i32 to index
      %swap3A_249 = tpu.vector_load %arg7[%swap3A_248] {strides = array<i32>} : memref<32768xf32, #tpu.memory_space<vmem>>, vector<16xf32>,
      %swap3A_250 = vector.shape_cast %swap3A_249 : vector<16xf32> to vector<16xf32>
      %swap3A_251 = vector.shape_cast %select_n3A_245 : vector<16xf32> to vector<16xf32>
      tpu.vector_store %arg7[%swap3A_248], %swap3A_251 {strides = array<i32>} : memref<32768xf32, #tpu.memory_space<vmem>>, vector<16xf32>,
      %scan3A_252 = arith.constant 3 : i32
      %scan3A_253 = arith.addi %scan3A_115, %scan3A_252 : i32
      %mul3A_254 = arith.constant 16 : i32
      %mul3A_255 = arith.muli %scan3A_253, %mul3A_254 : i32
      %get3A_256 = arith.index_cast %mul3A_255 : i32 to index
      %get3A_257 = tpu.vector_load %arg5[%get3A_256] {strides = array<i32>} : memref<8192xi32, #tpu.memory_space<vmem>>, vector<16xi32>,
      %get3A_258 = vector.shape_cast %get3A_257 : vector<16xi32> to vector<16xi32>
      %shift_right_arithmetic3A_259 = arith.constant 3 : i32
      %shift_right_arithmetic3A_260 = arith.shrsi %scan3A_253, %shift_right_arithmetic3A_259 : i32
      %mul3A_261 = arith.constant 512 : i32
      %mul3A_262 = arith.muli %shift_right_arithmetic3A_260, %mul3A_261 : i32
      %and3A_263 = arith.constant 7 : i32
      %and3A_264 = arith.andi %scan3A_253, %and3A_263 : i32
      %mul3A_265 = arith.constant 16 : i32
      %mul3A_266 = arith.muli %and3A_264, %mul3A_265 : i32
      %add3A_267 = arith.addi %mul3A_262, %mul3A_266 : i32
      %eq3A_268 = arith.cmpi eq, %get3A_258, %broadcast_in_dim3A_7 : vector<16xi32>
      %select_n3A_269 = arith.select %eq3A_268, %broadcast_in_dim3A_3, %broadcast_in_dim3A_5 : vector<16xi1>, vector<16xf32>
      %add3A_270 = arith.constant 0 : i32
      %add3A_271 = arith.addi %add3A_267, %add3A_270 : i32
      %swap3A_272 = arith.index_cast %add3A_271 : i32 to index
      %swap3A_273 = tpu.vector_load %arg7[%swap3A_272] {strides = array<i32>} : memref<32768xf32, #tpu.memory_space<vmem>>, vector<16xf32>,
      %swap3A_274 = vector.shape_cast %swap3A_273 : vector<16xf32> to vector<16xf32>
      %swap3A_275 = vector.shape_cast %select_n3A_269 : vector<16xf32> to vector<16xf32>
      tpu.vector_store %arg7[%swap3A_272], %swap3A_275 {strides = array<i32>} : memref<32768xf32, #tpu.memory_space<vmem>>, vector<16xf32>,
      %eq3A_276 = arith.cmpi eq, %get3A_258, %broadcast_in_dim3A_9 : vector<16xi32>
      %select_n3A_277 = arith.select %eq3A_276, %broadcast_in_dim3A_3, %broadcast_in_dim3A_5 : vector<16xi1>, vector<16xf32>
      %add3A_278 = arith.constant 128 : i32
      %add3A_279 = arith.addi %add3A_267, %add3A_278 : i32
      %swap3A_280 = arith.index_cast %add3A_279 : i32 to index
      %swap3A_281 = tpu.vector_load %arg7[%swap3A_280] {strides = array<i32>} : memref<32768xf32, #tpu.memory_space<vmem>>, vector<16xf32>,
      %swap3A_282 = vector.shape_cast %swap3A_281 : vector<16xf32> to vector<16xf32>
      %swap3A_283 = vector.shape_cast %select_n3A_277 : vector<16xf32> to vector<16xf32>
      tpu.vector_store %arg7[%swap3A_280], %swap3A_283 {strides = array<i32>} : memref<32768xf32, #tpu.memory_space<vmem>>, vector<16xf32>,
      %eq3A_284 = arith.cmpi eq, %get3A_258, %broadcast_in_dim3A_11 : vector<16xi32>
      %select_n3A_285 = arith.select %eq3A_284, %broadcast_in_dim3A_3, %broadcast_in_dim3A_5 : vector<16xi1>, vector<16xf32>
      %add3A_286 = arith.constant 256 : i32
      %add3A_287 = arith.addi %add3A_267, %add3A_286 : i32
      %swap3A_288 = arith.index_cast %add3A_287 : i32 to index
      %swap3A_289 = tpu.vector_load %arg7[%swap3A_288] {strides = array<i32>} : memref<32768xf32, #tpu.memory_space<vmem>>, vector<16xf32>,
      %swap3A_290 = vector.shape_cast %swap3A_289 : vector<16xf32> to vector<16xf32>
      %swap3A_291 = vector.shape_cast %select_n3A_285 : vector<16xf32> to vector<16xf32>
      tpu.vector_store %arg7[%swap3A_288], %swap3A_291 {strides = array<i32>} : memref<32768xf32, #tpu.memory_space<vmem>>, vector<16xf32>,
      %eq3A_292 = arith.cmpi eq, %get3A_258, %broadcast_in_dim3A_13 : vector<16xi32>
      %select_n3A_293 = arith.select %eq3A_292, %broadcast_in_dim3A_3, %broadcast_in_dim3A_5 : vector<16xi1>, vector<16xf32>
      %add3A_294 = arith.constant 384 : i32
      %add3A_295 = arith.addi %add3A_267, %add3A_294 : i32
      %swap3A_296 = arith.index_cast %add3A_295 : i32 to index
      %swap3A_297 = tpu.vector_load %arg7[%swap3A_296] {strides = array<i32>} : memref<32768xf32, #tpu.memory_space<vmem>>, vector<16xf32>,
      %swap3A_298 = vector.shape_cast %swap3A_297 : vector<16xf32> to vector<16xf32>
      %swap3A_299 = vector.shape_cast %select_n3A_293 : vector<16xf32> to vector<16xf32>
      tpu.vector_store %arg7[%swap3A_296], %swap3A_299 {strides = array<i32>} : memref<32768xf32, #tpu.memory_space<vmem>>, vector<16xf32>,
    }
    %scan3A_48 = arith.constant 512 : i32
    %add3A_49 = arith.constant 8192 : i32
    %add3A_50 = arith.addi %mul3A_2, %add3A_49 : i32
    %mul3A_51 = arith.constant 4 : i32
    %mul3A_52 = arith.muli %add3A_50, %mul3A_51 : i32
    %dma_start3A_53 = tpu.memref_slice %arg3[%mul3A_52] : memref<4194304xf32, #tpu.memory_space<hbm>> -> memref<32768xf32, #tpu.memory_space<hbm>>
    %dma_start3A_54 = tpu.memref_slice %arg3[%mul3A_52] : memref<4194304xf32, #tpu.memory_space<hbm>> -> memref<32768xf32, #tpu.memory_space<hbm>>
    tpu.enqueue_dma source(%arg7 : memref<32768xf32, #tpu.memory_space<vmem>>) target(%dma_start3A_54 : memref<32768xf32, #tpu.memory_space<hbm>>) target_semaphore(%arg11 : memref<!tpu.dma_semaphore, #tpu.memory_space<semaphore_mem>>)
    %add3A_55 = arith.constant 24576 : i32
    %add3A_56 = arith.addi %mul3A_2, %add3A_55 : i32
    %dma_start3A_57 = tpu.memref_slice %arg2[%add3A_56] : memref<1048576xi32, #tpu.memory_space<hbm>> -> memref<8192xi32, #tpu.memory_space<hbm>>
    %dma_start3A_58 = tpu.memref_slice %arg2[%add3A_56] : memref<1048576xi32, #tpu.memory_space<hbm>> -> memref<8192xi32, #tpu.memory_space<hbm>>
    tpu.enqueue_dma source(%dma_start3A_58 : memref<8192xi32, #tpu.memory_space<hbm>>) target(%arg5 : memref<8192xi32, #tpu.memory_space<vmem>>) target_semaphore(%arg9 : memref<!tpu.dma_semaphore, #tpu.memory_space<semaphore_mem>>)
    %add3A_59 = arith.constant 16384 : i32
    %add3A_60 = arith.addi %mul3A_2, %add3A_59 : i32
    %dma_wait3A_61 = tpu.memref_slice %arg2[%add3A_60] : memref<1048576xi32, #tpu.memory_space<hbm>> -> memref<8192xi32, #tpu.memory_space<hbm>>
    %dma_wait3A_62 = tpu.memref_slice %arg2[%add3A_60] : memref<1048576xi32, #tpu.memory_space<hbm>> -> memref<8192xi32, #tpu.memory_space<hbm>>
    tpu.wait_dma2 semaphore(%arg8 : memref<!tpu.dma_semaphore, #tpu.memory_space<semaphore_mem>>) src(%dma_wait3A_62 : memref<8192xi32, #tpu.memory_space<hbm>>) dst(%arg4 : memref<8192xi32, #tpu.memory_space<vmem>>)
    %add3A_63 = arith.constant 0 : i32
    %add3A_64 = arith.addi %mul3A_2, %add3A_63 : i32
    %mul3A_65 = arith.constant 4 : i32
    %mul3A_66 = arith.muli %add3A_64, %mul3A_65 : i32
    %dma_wait3A_67 = tpu.memref_slice %arg3[%mul3A_66] : memref<4194304xf32, #tpu.memory_space<hbm>> -> memref<32768xf32, #tpu.memory_space<hbm>>
    %dma_wait3A_68 = tpu.memref_slice %arg3[%mul3A_66] : memref<4194304xf32, #tpu.memory_space<hbm>> -> memref<32768xf32, #tpu.memory_space<hbm>>
    tpu.wait_dma2 semaphore(%arg10 : memref<!tpu.dma_semaphore, #tpu.memory_space<semaphore_mem>>) src(%arg6 : memref<32768xf32, #tpu.memory_space<vmem>>) dst(%dma_wait3A_68 : memref<32768xf32, #tpu.memory_space<hbm>>)
    %scan3A_69 = arith.constant 0 : i32
    %scan3A_70 = arith.constant 0 : i32
    %scan3A_71 = arith.constant 512 : i32
    %scan3A_72 = arith.addi %scan3A_70, %scan3A_71 : i32
    %scan3A_73 = arith.constant 4 : i32
    scf.for %scan3A_115 = %scan3A_70 to %scan3A_72 step %scan3A_73  : i32 {
      %mul3A_116 = arith.constant 16 : i32
      %mul3A_117 = arith.muli %scan3A_115, %mul3A_116 : i32
      %get3A = arith.index_cast %mul3A_117 : i32 to index
      %get3A_118 = tpu.vector_load %arg4[%get3A] {strides = array<i32>} : memref<8192xi32, #tpu.memory_space<vmem>>, vector<16xi32>,
      %get3A_119 = vector.shape_cast %get3A_118 : vector<16xi32> to vector<16xi32>
      %shift_right_arithmetic3A = arith.constant 3 : i32
      %shift_right_arithmetic3A_120 = arith.shrsi %scan3A_115, %shift_right_arithmetic3A : i32
      %mul3A_121 = arith.constant 512 : i32
      %mul3A_122 = arith.muli %shift_right_arithmetic3A_120, %mul3A_121 : i32
      %and3A = arith.constant 7 : i32
      %and3A_123 = arith.andi %scan3A_115, %and3A : i32
      %mul3A_124 = arith.constant 16 : i32
      %mul3A_125 = arith.muli %and3A_123, %mul3A_124 : i32
      %add3A_126 = arith.addi %mul3A_122, %mul3A_125 : i32
      %eq3A = arith.cmpi eq, %get3A_119, %broadcast_in_dim3A_7 : vector<16xi32>
      %select_n3A = arith.select %eq3A, %broadcast_in_dim3A_3, %broadcast_in_dim3A_5 : vector<16xi1>, vector<16xf32>
      %add3A_127 = arith.constant 0 : i32
      %add3A_128 = arith.addi %add3A_126, %add3A_127 : i32
      %swap3A = arith.index_cast %add3A_128 : i32 to index
      %swap3A_129 = tpu.vector_load %arg6[%swap3A] {strides = array<i32>} : memref<32768xf32, #tpu.memory_space<vmem>>, vector<16xf32>,
      %swap3A_130 = vector.shape_cast %swap3A_129 : vector<16xf32> to vector<16xf32>
      %swap3A_131 = vector.shape_cast %select_n3A : vector<16xf32> to vector<16xf32>
      tpu.vector_store %arg6[%swap3A], %swap3A_131 {strides = array<i32>} : memref<32768xf32, #tpu.memory_space<vmem>>, vector<16xf32>,
      %eq3A_132 = arith.cmpi eq, %get3A_119, %broadcast_in_dim3A_9 : vector<16xi32>
      %select_n3A_133 = arith.select %eq3A_132, %broadcast_in_dim3A_3, %broadcast_in_dim3A_5 : vector<16xi1>, vector<16xf32>
      %add3A_134 = arith.constant 128 : i32
      %add3A_135 = arith.addi %add3A_126, %add3A_134 : i32
      %swap3A_136 = arith.index_cast %add3A_135 : i32 to index
      %swap3A_137 = tpu.vector_load %arg6[%swap3A_136] {strides = array<i32>} : memref<32768xf32, #tpu.memory_space<vmem>>, vector<16xf32>,
      %swap3A_138 = vector.shape_cast %swap3A_137 : vector<16xf32> to vector<16xf32>
      %swap3A_139 = vector.shape_cast %select_n3A_133 : vector<16xf32> to vector<16xf32>
      tpu.vector_store %arg6[%swap3A_136], %swap3A_139 {strides = array<i32>} : memref<32768xf32, #tpu.memory_space<vmem>>, vector<16xf32>,
      %eq3A_140 = arith.cmpi eq, %get3A_119, %broadcast_in_dim3A_11 : vector<16xi32>
      %select_n3A_141 = arith.select %eq3A_140, %broadcast_in_dim3A_3, %broadcast_in_dim3A_5 : vector<16xi1>, vector<16xf32>
      %add3A_142 = arith.constant 256 : i32
      %add3A_143 = arith.addi %add3A_126, %add3A_142 : i32
      %swap3A_144 = arith.index_cast %add3A_143 : i32 to index
      %swap3A_145 = tpu.vector_load %arg6[%swap3A_144] {strides = array<i32>} : memref<32768xf32, #tpu.memory_space<vmem>>, vector<16xf32>,
      %swap3A_146 = vector.shape_cast %swap3A_145 : vector<16xf32> to vector<16xf32>
      %swap3A_147 = vector.shape_cast %select_n3A_141 : vector<16xf32> to vector<16xf32>
      tpu.vector_store %arg6[%swap3A_144], %swap3A_147 {strides = array<i32>} : memref<32768xf32, #tpu.memory_space<vmem>>, vector<16xf32>,
      %eq3A_148 = arith.cmpi eq, %get3A_119, %broadcast_in_dim3A_13 : vector<16xi32>
      %select_n3A_149 = arith.select %eq3A_148, %broadcast_in_dim3A_3, %broadcast_in_dim3A_5 : vector<16xi1>, vector<16xf32>
      %add3A_150 = arith.constant 384 : i32
      %add3A_151 = arith.addi %add3A_126, %add3A_150 : i32
      %swap3A_152 = arith.index_cast %add3A_151 : i32 to index
      %swap3A_153 = tpu.vector_load %arg6[%swap3A_152] {strides = array<i32>} : memref<32768xf32, #tpu.memory_space<vmem>>, vector<16xf32>,
      %swap3A_154 = vector.shape_cast %swap3A_153 : vector<16xf32> to vector<16xf32>
      %swap3A_155 = vector.shape_cast %select_n3A_149 : vector<16xf32> to vector<16xf32>
      tpu.vector_store %arg6[%swap3A_152], %swap3A_155 {strides = array<i32>} : memref<32768xf32, #tpu.memory_space<vmem>>, vector<16xf32>,
      %scan3A_156 = arith.constant 1 : i32
      %scan3A_157 = arith.addi %scan3A_115, %scan3A_156 : i32
      %mul3A_158 = arith.constant 16 : i32
      %mul3A_159 = arith.muli %scan3A_157, %mul3A_158 : i32
      %get3A_160 = arith.index_cast %mul3A_159 : i32 to index
      %get3A_161 = tpu.vector_load %arg4[%get3A_160] {strides = array<i32>} : memref<8192xi32, #tpu.memory_space<vmem>>, vector<16xi32>,
      %get3A_162 = vector.shape_cast %get3A_161 : vector<16xi32> to vector<16xi32>
      %shift_right_arithmetic3A_163 = arith.constant 3 : i32
      %shift_right_arithmetic3A_164 = arith.shrsi %scan3A_157, %shift_right_arithmetic3A_163 : i32
      %mul3A_165 = arith.constant 512 : i32
      %mul3A_166 = arith.muli %shift_right_arithmetic3A_164, %mul3A_165 : i32
      %and3A_167 = arith.constant 7 : i32
      %and3A_168 = arith.andi %scan3A_157, %and3A_167 : i32
      %mul3A_169 = arith.constant 16 : i32
      %mul3A_170 = arith.muli %and3A_168, %mul3A_169 : i32
      %add3A_171 = arith.addi %mul3A_166, %mul3A_170 : i32
      %eq3A_172 = arith.cmpi eq, %get3A_162, %broadcast_in_dim3A_7 : vector<16xi32>
      %select_n3A_173 = arith.select %eq3A_172, %broadcast_in_dim3A_3, %broadcast_in_dim3A_5 : vector<16xi1>, vector<16xf32>
      %add3A_174 = arith.constant 0 : i32
      %add3A_175 = arith.addi %add3A_171, %add3A_174 : i32
      %swap3A_176 = arith.index_cast %add3A_175 : i32 to index
      %swap3A_177 = tpu.vector_load %arg6[%swap3A_176] {strides = array<i32>} : memref<32768xf32, #tpu.memory_space<vmem>>, vector<16xf32>,
      %swap3A_178 = vector.shape_cast %swap3A_177 : vector<16xf32> to vector<16xf32>
      %swap3A_179 = vector.shape_cast %select_n3A_173 : vector<16xf32> to vector<16xf32>
      tpu.vector_store %arg6[%swap3A_176], %swap3A_179 {strides = array<i32>} : memref<32768xf32, #tpu.memory_space<vmem>>, vector<16xf32>,
      %eq3A_180 = arith.cmpi eq, %get3A_162, %broadcast_in_dim3A_9 : vector<16xi32>
      %select_n3A_181 = arith.select %eq3A_180, %broadcast_in_dim3A_3, %broadcast_in_dim3A_5 : vector<16xi1>, vector<16xf32>
      %add3A_182 = arith.constant 128 : i32
      %add3A_183 = arith.addi %add3A_171, %add3A_182 : i32
      %swap3A_184 = arith.index_cast %add3A_183 : i32 to index
      %swap3A_185 = tpu.vector_load %arg6[%swap3A_184] {strides = array<i32>} : memref<32768xf32, #tpu.memory_space<vmem>>, vector<16xf32>,
      %swap3A_186 = vector.shape_cast %swap3A_185 : vector<16xf32> to vector<16xf32>
      %swap3A_187 = vector.shape_cast %select_n3A_181 : vector<16xf32> to vector<16xf32>
      tpu.vector_store %arg6[%swap3A_184], %swap3A_187 {strides = array<i32>} : memref<32768xf32, #tpu.memory_space<vmem>>, vector<16xf32>,
      %eq3A_188 = arith.cmpi eq, %get3A_162, %broadcast_in_dim3A_11 : vector<16xi32>
      %select_n3A_189 = arith.select %eq3A_188, %broadcast_in_dim3A_3, %broadcast_in_dim3A_5 : vector<16xi1>, vector<16xf32>
      %add3A_190 = arith.constant 256 : i32
      %add3A_191 = arith.addi %add3A_171, %add3A_190 : i32
      %swap3A_192 = arith.index_cast %add3A_191 : i32 to index
      %swap3A_193 = tpu.vector_load %arg6[%swap3A_192] {strides = array<i32>} : memref<32768xf32, #tpu.memory_space<vmem>>, vector<16xf32>,
      %swap3A_194 = vector.shape_cast %swap3A_193 : vector<16xf32> to vector<16xf32>
      %swap3A_195 = vector.shape_cast %select_n3A_189 : vector<16xf32> to vector<16xf32>
      tpu.vector_store %arg6[%swap3A_192], %swap3A_195 {strides = array<i32>} : memref<32768xf32, #tpu.memory_space<vmem>>, vector<16xf32>,
      %eq3A_196 = arith.cmpi eq, %get3A_162, %broadcast_in_dim3A_13 : vector<16xi32>
      %select_n3A_197 = arith.select %eq3A_196, %broadcast_in_dim3A_3, %broadcast_in_dim3A_5 : vector<16xi1>, vector<16xf32>
      %add3A_198 = arith.constant 384 : i32
      %add3A_199 = arith.addi %add3A_171, %add3A_198 : i32
      %swap3A_200 = arith.index_cast %add3A_199 : i32 to index
      %swap3A_201 = tpu.vector_load %arg6[%swap3A_200] {strides = array<i32>} : memref<32768xf32, #tpu.memory_space<vmem>>, vector<16xf32>,
      %swap3A_202 = vector.shape_cast %swap3A_201 : vector<16xf32> to vector<16xf32>
      %swap3A_203 = vector.shape_cast %select_n3A_197 : vector<16xf32> to vector<16xf32>
      tpu.vector_store %arg6[%swap3A_200], %swap3A_203 {strides = array<i32>} : memref<32768xf32, #tpu.memory_space<vmem>>, vector<16xf32>,
      %scan3A_204 = arith.constant 2 : i32
      %scan3A_205 = arith.addi %scan3A_115, %scan3A_204 : i32
      %mul3A_206 = arith.constant 16 : i32
      %mul3A_207 = arith.muli %scan3A_205, %mul3A_206 : i32
      %get3A_208 = arith.index_cast %mul3A_207 : i32 to index
      %get3A_209 = tpu.vector_load %arg4[%get3A_208] {strides = array<i32>} : memref<8192xi32, #tpu.memory_space<vmem>>, vector<16xi32>,
      %get3A_210 = vector.shape_cast %get3A_209 : vector<16xi32> to vector<16xi32>
      %shift_right_arithmetic3A_211 = arith.constant 3 : i32
      %shift_right_arithmetic3A_212 = arith.shrsi %scan3A_205, %shift_right_arithmetic3A_211 : i32
      %mul3A_213 = arith.constant 512 : i32
      %mul3A_214 = arith.muli %shift_right_arithmetic3A_212, %mul3A_213 : i32
      %and3A_215 = arith.constant 7 : i32
      %and3A_216 = arith.andi %scan3A_205, %and3A_215 : i32
      %mul3A_217 = arith.constant 16 : i32
      %mul3A_218 = arith.muli %and3A_216, %mul3A_217 : i32
      %add3A_219 = arith.addi %mul3A_214, %mul3A_218 : i32
      %eq3A_220 = arith.cmpi eq, %get3A_210, %broadcast_in_dim3A_7 : vector<16xi32>
      %select_n3A_221 = arith.select %eq3A_220, %broadcast_in_dim3A_3, %broadcast_in_dim3A_5 : vector<16xi1>, vector<16xf32>
      %add3A_222 = arith.constant 0 : i32
      %add3A_223 = arith.addi %add3A_219, %add3A_222 : i32
      %swap3A_224 = arith.index_cast %add3A_223 : i32 to index
      %swap3A_225 = tpu.vector_load %arg6[%swap3A_224] {strides = array<i32>} : memref<32768xf32, #tpu.memory_space<vmem>>, vector<16xf32>,
      %swap3A_226 = vector.shape_cast %swap3A_225 : vector<16xf32> to vector<16xf32>
      %swap3A_227 = vector.shape_cast %select_n3A_221 : vector<16xf32> to vector<16xf32>
      tpu.vector_store %arg6[%swap3A_224], %swap3A_227 {strides = array<i32>} : memref<32768xf32, #tpu.memory_space<vmem>>, vector<16xf32>,
      %eq3A_228 = arith.cmpi eq, %get3A_210, %broadcast_in_dim3A_9 : vector<16xi32>
      %select_n3A_229 = arith.select %eq3A_228, %broadcast_in_dim3A_3, %broadcast_in_dim3A_5 : vector<16xi1>, vector<16xf32>
      %add3A_230 = arith.constant 128 : i32
      %add3A_231 = arith.addi %add3A_219, %add3A_230 : i32
      %swap3A_232 = arith.index_cast %add3A_231 : i32 to index
      %swap3A_233 = tpu.vector_load %arg6[%swap3A_232] {strides = array<i32>} : memref<32768xf32, #tpu.memory_space<vmem>>, vector<16xf32>,
      %swap3A_234 = vector.shape_cast %swap3A_233 : vector<16xf32> to vector<16xf32>
      %swap3A_235 = vector.shape_cast %select_n3A_229 : vector<16xf32> to vector<16xf32>
      tpu.vector_store %arg6[%swap3A_232], %swap3A_235 {strides = array<i32>} : memref<32768xf32, #tpu.memory_space<vmem>>, vector<16xf32>,
      %eq3A_236 = arith.cmpi eq, %get3A_210, %broadcast_in_dim3A_11 : vector<16xi32>
      %select_n3A_237 = arith.select %eq3A_236, %broadcast_in_dim3A_3, %broadcast_in_dim3A_5 : vector<16xi1>, vector<16xf32>
      %add3A_238 = arith.constant 256 : i32
      %add3A_239 = arith.addi %add3A_219, %add3A_238 : i32
      %swap3A_240 = arith.index_cast %add3A_239 : i32 to index
      %swap3A_241 = tpu.vector_load %arg6[%swap3A_240] {strides = array<i32>} : memref<32768xf32, #tpu.memory_space<vmem>>, vector<16xf32>,
      %swap3A_242 = vector.shape_cast %swap3A_241 : vector<16xf32> to vector<16xf32>
      %swap3A_243 = vector.shape_cast %select_n3A_237 : vector<16xf32> to vector<16xf32>
      tpu.vector_store %arg6[%swap3A_240], %swap3A_243 {strides = array<i32>} : memref<32768xf32, #tpu.memory_space<vmem>>, vector<16xf32>,
      %eq3A_244 = arith.cmpi eq, %get3A_210, %broadcast_in_dim3A_13 : vector<16xi32>
      %select_n3A_245 = arith.select %eq3A_244, %broadcast_in_dim3A_3, %broadcast_in_dim3A_5 : vector<16xi1>, vector<16xf32>
      %add3A_246 = arith.constant 384 : i32
      %add3A_247 = arith.addi %add3A_219, %add3A_246 : i32
      %swap3A_248 = arith.index_cast %add3A_247 : i32 to index
      %swap3A_249 = tpu.vector_load %arg6[%swap3A_248] {strides = array<i32>} : memref<32768xf32, #tpu.memory_space<vmem>>, vector<16xf32>,
      %swap3A_250 = vector.shape_cast %swap3A_249 : vector<16xf32> to vector<16xf32>
      %swap3A_251 = vector.shape_cast %select_n3A_245 : vector<16xf32> to vector<16xf32>
      tpu.vector_store %arg6[%swap3A_248], %swap3A_251 {strides = array<i32>} : memref<32768xf32, #tpu.memory_space<vmem>>, vector<16xf32>,
      %scan3A_252 = arith.constant 3 : i32
      %scan3A_253 = arith.addi %scan3A_115, %scan3A_252 : i32
      %mul3A_254 = arith.constant 16 : i32
      %mul3A_255 = arith.muli %scan3A_253, %mul3A_254 : i32
      %get3A_256 = arith.index_cast %mul3A_255 : i32 to index
      %get3A_257 = tpu.vector_load %arg4[%get3A_256] {strides = array<i32>} : memref<8192xi32, #tpu.memory_space<vmem>>, vector<16xi32>,
      %get3A_258 = vector.shape_cast %get3A_257 : vector<16xi32> to vector<16xi32>
      %shift_right_arithmetic3A_259 = arith.constant 3 : i32
      %shift_right_arithmetic3A_260 = arith.shrsi %scan3A_253, %shift_right_arithmetic3A_259 : i32
      %mul3A_261 = arith.constant 512 : i32
      %mul3A_262 = arith.muli %shift_right_arithmetic3A_260, %mul3A_261 : i32
      %and3A_263 = arith.constant 7 : i32
      %and3A_264 = arith.andi %scan3A_253, %and3A_263 : i32
      %mul3A_265 = arith.constant 16 : i32
      %mul3A_266 = arith.muli %and3A_264, %mul3A_265 : i32
      %add3A_267 = arith.addi %mul3A_262, %mul3A_266 : i32
      %eq3A_268 = arith.cmpi eq, %get3A_258, %broadcast_in_dim3A_7 : vector<16xi32>
      %select_n3A_269 = arith.select %eq3A_268, %broadcast_in_dim3A_3, %broadcast_in_dim3A_5 : vector<16xi1>, vector<16xf32>
      %add3A_270 = arith.constant 0 : i32
      %add3A_271 = arith.addi %add3A_267, %add3A_270 : i32
      %swap3A_272 = arith.index_cast %add3A_271 : i32 to index
      %swap3A_273 = tpu.vector_load %arg6[%swap3A_272] {strides = array<i32>} : memref<32768xf32, #tpu.memory_space<vmem>>, vector<16xf32>,
      %swap3A_274 = vector.shape_cast %swap3A_273 : vector<16xf32> to vector<16xf32>
      %swap3A_275 = vector.shape_cast %select_n3A_269 : vector<16xf32> to vector<16xf32>
      tpu.vector_store %arg6[%swap3A_272], %swap3A_275 {strides = array<i32>} : memref<32768xf32, #tpu.memory_space<vmem>>, vector<16xf32>,
      %eq3A_276 = arith.cmpi eq, %get3A_258, %broadcast_in_dim3A_9 : vector<16xi32>
      %select_n3A_277 = arith.select %eq3A_276, %broadcast_in_dim3A_3, %broadcast_in_dim3A_5 : vector<16xi1>, vector<16xf32>
      %add3A_278 = arith.constant 128 : i32
      %add3A_279 = arith.addi %add3A_267, %add3A_278 : i32
      %swap3A_280 = arith.index_cast %add3A_279 : i32 to index
      %swap3A_281 = tpu.vector_load %arg6[%swap3A_280] {strides = array<i32>} : memref<32768xf32, #tpu.memory_space<vmem>>, vector<16xf32>,
      %swap3A_282 = vector.shape_cast %swap3A_281 : vector<16xf32> to vector<16xf32>
      %swap3A_283 = vector.shape_cast %select_n3A_277 : vector<16xf32> to vector<16xf32>
      tpu.vector_store %arg6[%swap3A_280], %swap3A_283 {strides = array<i32>} : memref<32768xf32, #tpu.memory_space<vmem>>, vector<16xf32>,
      %eq3A_284 = arith.cmpi eq, %get3A_258, %broadcast_in_dim3A_11 : vector<16xi32>
      %select_n3A_285 = arith.select %eq3A_284, %broadcast_in_dim3A_3, %broadcast_in_dim3A_5 : vector<16xi1>, vector<16xf32>
      %add3A_286 = arith.constant 256 : i32
      %add3A_287 = arith.addi %add3A_267, %add3A_286 : i32
      %swap3A_288 = arith.index_cast %add3A_287 : i32 to index
      %swap3A_289 = tpu.vector_load %arg6[%swap3A_288] {strides = array<i32>} : memref<32768xf32, #tpu.memory_space<vmem>>, vector<16xf32>,
      %swap3A_290 = vector.shape_cast %swap3A_289 : vector<16xf32> to vector<16xf32>
      %swap3A_291 = vector.shape_cast %select_n3A_285 : vector<16xf32> to vector<16xf32>
      tpu.vector_store %arg6[%swap3A_288], %swap3A_291 {strides = array<i32>} : memref<32768xf32, #tpu.memory_space<vmem>>, vector<16xf32>,
      %eq3A_292 = arith.cmpi eq, %get3A_258, %broadcast_in_dim3A_13 : vector<16xi32>
      %select_n3A_293 = arith.select %eq3A_292, %broadcast_in_dim3A_3, %broadcast_in_dim3A_5 : vector<16xi1>, vector<16xf32>
      %add3A_294 = arith.constant 384 : i32
      %add3A_295 = arith.addi %add3A_267, %add3A_294 : i32
      %swap3A_296 = arith.index_cast %add3A_295 : i32 to index
      %swap3A_297 = tpu.vector_load %arg6[%swap3A_296] {strides = array<i32>} : memref<32768xf32, #tpu.memory_space<vmem>>, vector<16xf32>,
      %swap3A_298 = vector.shape_cast %swap3A_297 : vector<16xf32> to vector<16xf32>
      %swap3A_299 = vector.shape_cast %select_n3A_293 : vector<16xf32> to vector<16xf32>
      tpu.vector_store %arg6[%swap3A_296], %swap3A_299 {strides = array<i32>} : memref<32768xf32, #tpu.memory_space<vmem>>, vector<16xf32>,
    }
    %scan3A_74 = arith.constant 512 : i32
    %add3A_75 = arith.constant 16384 : i32
    %add3A_76 = arith.addi %mul3A_2, %add3A_75 : i32
    %mul3A_77 = arith.constant 4 : i32
    %mul3A_78 = arith.muli %add3A_76, %mul3A_77 : i32
    %dma_start3A_79 = tpu.memref_slice %arg3[%mul3A_78] : memref<4194304xf32, #tpu.memory_space<hbm>> -> memref<32768xf32, #tpu.memory_space<hbm>>
    %dma_start3A_80 = tpu.memref_slice %arg3[%mul3A_78] : memref<4194304xf32, #tpu.memory_space<hbm>> -> memref<32768xf32, #tpu.memory_space<hbm>>
    tpu.enqueue_dma source(%arg6 : memref<32768xf32, #tpu.memory_space<vmem>>) target(%dma_start3A_80 : memref<32768xf32, #tpu.memory_space<hbm>>) target_semaphore(%arg10 : memref<!tpu.dma_semaphore, #tpu.memory_space<semaphore_mem>>)
    %add3A_81 = arith.constant 24576 : i32
    %add3A_82 = arith.addi %mul3A_2, %add3A_81 : i32
    %dma_wait3A_83 = tpu.memref_slice %arg2[%add3A_82] : memref<1048576xi32, #tpu.memory_space<hbm>> -> memref<8192xi32, #tpu.memory_space<hbm>>
    %dma_wait3A_84 = tpu.memref_slice %arg2[%add3A_82] : memref<1048576xi32, #tpu.memory_space<hbm>> -> memref<8192xi32, #tpu.memory_space<hbm>>
    tpu.wait_dma2 semaphore(%arg9 : memref<!tpu.dma_semaphore, #tpu.memory_space<semaphore_mem>>) src(%dma_wait3A_84 : memref<8192xi32, #tpu.memory_space<hbm>>) dst(%arg5 : memref<8192xi32, #tpu.memory_space<vmem>>)
    %add3A_85 = arith.constant 8192 : i32
    %add3A_86 = arith.addi %mul3A_2, %add3A_85 : i32
    %mul3A_87 = arith.constant 4 : i32
    %mul3A_88 = arith.muli %add3A_86, %mul3A_87 : i32
    %dma_wait3A_89 = tpu.memref_slice %arg3[%mul3A_88] : memref<4194304xf32, #tpu.memory_space<hbm>> -> memref<32768xf32, #tpu.memory_space<hbm>>
    %dma_wait3A_90 = tpu.memref_slice %arg3[%mul3A_88] : memref<4194304xf32, #tpu.memory_space<hbm>> -> memref<32768xf32, #tpu.memory_space<hbm>>
    tpu.wait_dma2 semaphore(%arg11 : memref<!tpu.dma_semaphore, #tpu.memory_space<semaphore_mem>>) src(%arg7 : memref<32768xf32, #tpu.memory_space<vmem>>) dst(%dma_wait3A_90 : memref<32768xf32, #tpu.memory_space<hbm>>)
    %scan3A_91 = arith.constant 0 : i32
    %scan3A_92 = arith.constant 0 : i32
    %scan3A_93 = arith.constant 512 : i32
    %scan3A_94 = arith.addi %scan3A_92, %scan3A_93 : i32
    %scan3A_95 = arith.constant 4 : i32
    scf.for %scan3A_115 = %scan3A_92 to %scan3A_94 step %scan3A_95  : i32 {
      %mul3A_116 = arith.constant 16 : i32
      %mul3A_117 = arith.muli %scan3A_115, %mul3A_116 : i32
      %get3A = arith.index_cast %mul3A_117 : i32 to index
      %get3A_118 = tpu.vector_load %arg5[%get3A] {strides = array<i32>} : memref<8192xi32, #tpu.memory_space<vmem>>, vector<16xi32>,
      %get3A_119 = vector.shape_cast %get3A_118 : vector<16xi32> to vector<16xi32>
      %shift_right_arithmetic3A = arith.constant 3 : i32
      %shift_right_arithmetic3A_120 = arith.shrsi %scan3A_115, %shift_right_arithmetic3A : i32
      %mul3A_121 = arith.constant 512 : i32
      %mul3A_122 = arith.muli %shift_right_arithmetic3A_120, %mul3A_121 : i32
      %and3A = arith.constant 7 : i32
      %and3A_123 = arith.andi %scan3A_115, %and3A : i32
      %mul3A_124 = arith.constant 16 : i32
      %mul3A_125 = arith.muli %and3A_123, %mul3A_124 : i32
      %add3A_126 = arith.addi %mul3A_122, %mul3A_125 : i32
      %eq3A = arith.cmpi eq, %get3A_119, %broadcast_in_dim3A_7 : vector<16xi32>
      %select_n3A = arith.select %eq3A, %broadcast_in_dim3A_3, %broadcast_in_dim3A_5 : vector<16xi1>, vector<16xf32>
      %add3A_127 = arith.constant 0 : i32
      %add3A_128 = arith.addi %add3A_126, %add3A_127 : i32
      %swap3A = arith.index_cast %add3A_128 : i32 to index
      %swap3A_129 = tpu.vector_load %arg7[%swap3A] {strides = array<i32>} : memref<32768xf32, #tpu.memory_space<vmem>>, vector<16xf32>,
      %swap3A_130 = vector.shape_cast %swap3A_129 : vector<16xf32> to vector<16xf32>
      %swap3A_131 = vector.shape_cast %select_n3A : vector<16xf32> to vector<16xf32>
      tpu.vector_store %arg7[%swap3A], %swap3A_131 {strides = array<i32>} : memref<32768xf32, #tpu.memory_space<vmem>>, vector<16xf32>,
      %eq3A_132 = arith.cmpi eq, %get3A_119, %broadcast_in_dim3A_9 : vector<16xi32>
      %select_n3A_133 = arith.select %eq3A_132, %broadcast_in_dim3A_3, %broadcast_in_dim3A_5 : vector<16xi1>, vector<16xf32>
      %add3A_134 = arith.constant 128 : i32
      %add3A_135 = arith.addi %add3A_126, %add3A_134 : i32
      %swap3A_136 = arith.index_cast %add3A_135 : i32 to index
      %swap3A_137 = tpu.vector_load %arg7[%swap3A_136] {strides = array<i32>} : memref<32768xf32, #tpu.memory_space<vmem>>, vector<16xf32>,
      %swap3A_138 = vector.shape_cast %swap3A_137 : vector<16xf32> to vector<16xf32>
      %swap3A_139 = vector.shape_cast %select_n3A_133 : vector<16xf32> to vector<16xf32>
      tpu.vector_store %arg7[%swap3A_136], %swap3A_139 {strides = array<i32>} : memref<32768xf32, #tpu.memory_space<vmem>>, vector<16xf32>,
      %eq3A_140 = arith.cmpi eq, %get3A_119, %broadcast_in_dim3A_11 : vector<16xi32>
      %select_n3A_141 = arith.select %eq3A_140, %broadcast_in_dim3A_3, %broadcast_in_dim3A_5 : vector<16xi1>, vector<16xf32>
      %add3A_142 = arith.constant 256 : i32
      %add3A_143 = arith.addi %add3A_126, %add3A_142 : i32
      %swap3A_144 = arith.index_cast %add3A_143 : i32 to index
      %swap3A_145 = tpu.vector_load %arg7[%swap3A_144] {strides = array<i32>} : memref<32768xf32, #tpu.memory_space<vmem>>, vector<16xf32>,
      %swap3A_146 = vector.shape_cast %swap3A_145 : vector<16xf32> to vector<16xf32>
      %swap3A_147 = vector.shape_cast %select_n3A_141 : vector<16xf32> to vector<16xf32>
      tpu.vector_store %arg7[%swap3A_144], %swap3A_147 {strides = array<i32>} : memref<32768xf32, #tpu.memory_space<vmem>>, vector<16xf32>,
      %eq3A_148 = arith.cmpi eq, %get3A_119, %broadcast_in_dim3A_13 : vector<16xi32>
      %select_n3A_149 = arith.select %eq3A_148, %broadcast_in_dim3A_3, %broadcast_in_dim3A_5 : vector<16xi1>, vector<16xf32>
      %add3A_150 = arith.constant 384 : i32
      %add3A_151 = arith.addi %add3A_126, %add3A_150 : i32
      %swap3A_152 = arith.index_cast %add3A_151 : i32 to index
      %swap3A_153 = tpu.vector_load %arg7[%swap3A_152] {strides = array<i32>} : memref<32768xf32, #tpu.memory_space<vmem>>, vector<16xf32>,
      %swap3A_154 = vector.shape_cast %swap3A_153 : vector<16xf32> to vector<16xf32>
      %swap3A_155 = vector.shape_cast %select_n3A_149 : vector<16xf32> to vector<16xf32>
      tpu.vector_store %arg7[%swap3A_152], %swap3A_155 {strides = array<i32>} : memref<32768xf32, #tpu.memory_space<vmem>>, vector<16xf32>,
      %scan3A_156 = arith.constant 1 : i32
      %scan3A_157 = arith.addi %scan3A_115, %scan3A_156 : i32
      %mul3A_158 = arith.constant 16 : i32
      %mul3A_159 = arith.muli %scan3A_157, %mul3A_158 : i32
      %get3A_160 = arith.index_cast %mul3A_159 : i32 to index
      %get3A_161 = tpu.vector_load %arg5[%get3A_160] {strides = array<i32>} : memref<8192xi32, #tpu.memory_space<vmem>>, vector<16xi32>,
      %get3A_162 = vector.shape_cast %get3A_161 : vector<16xi32> to vector<16xi32>
      %shift_right_arithmetic3A_163 = arith.constant 3 : i32
      %shift_right_arithmetic3A_164 = arith.shrsi %scan3A_157, %shift_right_arithmetic3A_163 : i32
      %mul3A_165 = arith.constant 512 : i32
      %mul3A_166 = arith.muli %shift_right_arithmetic3A_164, %mul3A_165 : i32
      %and3A_167 = arith.constant 7 : i32
      %and3A_168 = arith.andi %scan3A_157, %and3A_167 : i32
      %mul3A_169 = arith.constant 16 : i32
      %mul3A_170 = arith.muli %and3A_168, %mul3A_169 : i32
      %add3A_171 = arith.addi %mul3A_166, %mul3A_170 : i32
      %eq3A_172 = arith.cmpi eq, %get3A_162, %broadcast_in_dim3A_7 : vector<16xi32>
      %select_n3A_173 = arith.select %eq3A_172, %broadcast_in_dim3A_3, %broadcast_in_dim3A_5 : vector<16xi1>, vector<16xf32>
      %add3A_174 = arith.constant 0 : i32
      %add3A_175 = arith.addi %add3A_171, %add3A_174 : i32
      %swap3A_176 = arith.index_cast %add3A_175 : i32 to index
      %swap3A_177 = tpu.vector_load %arg7[%swap3A_176] {strides = array<i32>} : memref<32768xf32, #tpu.memory_space<vmem>>, vector<16xf32>,
      %swap3A_178 = vector.shape_cast %swap3A_177 : vector<16xf32> to vector<16xf32>
      %swap3A_179 = vector.shape_cast %select_n3A_173 : vector<16xf32> to vector<16xf32>
      tpu.vector_store %arg7[%swap3A_176], %swap3A_179 {strides = array<i32>} : memref<32768xf32, #tpu.memory_space<vmem>>, vector<16xf32>,
      %eq3A_180 = arith.cmpi eq, %get3A_162, %broadcast_in_dim3A_9 : vector<16xi32>
      %select_n3A_181 = arith.select %eq3A_180, %broadcast_in_dim3A_3, %broadcast_in_dim3A_5 : vector<16xi1>, vector<16xf32>
      %add3A_182 = arith.constant 128 : i32
      %add3A_183 = arith.addi %add3A_171, %add3A_182 : i32
      %swap3A_184 = arith.index_cast %add3A_183 : i32 to index
      %swap3A_185 = tpu.vector_load %arg7[%swap3A_184] {strides = array<i32>} : memref<32768xf32, #tpu.memory_space<vmem>>, vector<16xf32>,
      %swap3A_186 = vector.shape_cast %swap3A_185 : vector<16xf32> to vector<16xf32>
      %swap3A_187 = vector.shape_cast %select_n3A_181 : vector<16xf32> to vector<16xf32>
      tpu.vector_store %arg7[%swap3A_184], %swap3A_187 {strides = array<i32>} : memref<32768xf32, #tpu.memory_space<vmem>>, vector<16xf32>,
      %eq3A_188 = arith.cmpi eq, %get3A_162, %broadcast_in_dim3A_11 : vector<16xi32>
      %select_n3A_189 = arith.select %eq3A_188, %broadcast_in_dim3A_3, %broadcast_in_dim3A_5 : vector<16xi1>, vector<16xf32>
      %add3A_190 = arith.constant 256 : i32
      %add3A_191 = arith.addi %add3A_171, %add3A_190 : i32
      %swap3A_192 = arith.index_cast %add3A_191 : i32 to index
      %swap3A_193 = tpu.vector_load %arg7[%swap3A_192] {strides = array<i32>} : memref<32768xf32, #tpu.memory_space<vmem>>, vector<16xf32>,
      %swap3A_194 = vector.shape_cast %swap3A_193 : vector<16xf32> to vector<16xf32>
      %swap3A_195 = vector.shape_cast %select_n3A_189 : vector<16xf32> to vector<16xf32>
      tpu.vector_store %arg7[%swap3A_192], %swap3A_195 {strides = array<i32>} : memref<32768xf32, #tpu.memory_space<vmem>>, vector<16xf32>,
      %eq3A_196 = arith.cmpi eq, %get3A_162, %broadcast_in_dim3A_13 : vector<16xi32>
      %select_n3A_197 = arith.select %eq3A_196, %broadcast_in_dim3A_3, %broadcast_in_dim3A_5 : vector<16xi1>, vector<16xf32>
      %add3A_198 = arith.constant 384 : i32
      %add3A_199 = arith.addi %add3A_171, %add3A_198 : i32
      %swap3A_200 = arith.index_cast %add3A_199 : i32 to index
      %swap3A_201 = tpu.vector_load %arg7[%swap3A_200] {strides = array<i32>} : memref<32768xf32, #tpu.memory_space<vmem>>, vector<16xf32>,
      %swap3A_202 = vector.shape_cast %swap3A_201 : vector<16xf32> to vector<16xf32>
      %swap3A_203 = vector.shape_cast %select_n3A_197 : vector<16xf32> to vector<16xf32>
      tpu.vector_store %arg7[%swap3A_200], %swap3A_203 {strides = array<i32>} : memref<32768xf32, #tpu.memory_space<vmem>>, vector<16xf32>,
      %scan3A_204 = arith.constant 2 : i32
      %scan3A_205 = arith.addi %scan3A_115, %scan3A_204 : i32
      %mul3A_206 = arith.constant 16 : i32
      %mul3A_207 = arith.muli %scan3A_205, %mul3A_206 : i32
      %get3A_208 = arith.index_cast %mul3A_207 : i32 to index
      %get3A_209 = tpu.vector_load %arg5[%get3A_208] {strides = array<i32>} : memref<8192xi32, #tpu.memory_space<vmem>>, vector<16xi32>,
      %get3A_210 = vector.shape_cast %get3A_209 : vector<16xi32> to vector<16xi32>
      %shift_right_arithmetic3A_211 = arith.constant 3 : i32
      %shift_right_arithmetic3A_212 = arith.shrsi %scan3A_205, %shift_right_arithmetic3A_211 : i32
      %mul3A_213 = arith.constant 512 : i32
      %mul3A_214 = arith.muli %shift_right_arithmetic3A_212, %mul3A_213 : i32
      %and3A_215 = arith.constant 7 : i32
      %and3A_216 = arith.andi %scan3A_205, %and3A_215 : i32
      %mul3A_217 = arith.constant 16 : i32
      %mul3A_218 = arith.muli %and3A_216, %mul3A_217 : i32
      %add3A_219 = arith.addi %mul3A_214, %mul3A_218 : i32
      %eq3A_220 = arith.cmpi eq, %get3A_210, %broadcast_in_dim3A_7 : vector<16xi32>
      %select_n3A_221 = arith.select %eq3A_220, %broadcast_in_dim3A_3, %broadcast_in_dim3A_5 : vector<16xi1>, vector<16xf32>
      %add3A_222 = arith.constant 0 : i32
      %add3A_223 = arith.addi %add3A_219, %add3A_222 : i32
      %swap3A_224 = arith.index_cast %add3A_223 : i32 to index
      %swap3A_225 = tpu.vector_load %arg7[%swap3A_224] {strides = array<i32>} : memref<32768xf32, #tpu.memory_space<vmem>>, vector<16xf32>,
      %swap3A_226 = vector.shape_cast %swap3A_225 : vector<16xf32> to vector<16xf32>
      %swap3A_227 = vector.shape_cast %select_n3A_221 : vector<16xf32> to vector<16xf32>
      tpu.vector_store %arg7[%swap3A_224], %swap3A_227 {strides = array<i32>} : memref<32768xf32, #tpu.memory_space<vmem>>, vector<16xf32>,
      %eq3A_228 = arith.cmpi eq, %get3A_210, %broadcast_in_dim3A_9 : vector<16xi32>
      %select_n3A_229 = arith.select %eq3A_228, %broadcast_in_dim3A_3, %broadcast_in_dim3A_5 : vector<16xi1>, vector<16xf32>
      %add3A_230 = arith.constant 128 : i32
      %add3A_231 = arith.addi %add3A_219, %add3A_230 : i32
      %swap3A_232 = arith.index_cast %add3A_231 : i32 to index
      %swap3A_233 = tpu.vector_load %arg7[%swap3A_232] {strides = array<i32>} : memref<32768xf32, #tpu.memory_space<vmem>>, vector<16xf32>,
      %swap3A_234 = vector.shape_cast %swap3A_233 : vector<16xf32> to vector<16xf32>
      %swap3A_235 = vector.shape_cast %select_n3A_229 : vector<16xf32> to vector<16xf32>
      tpu.vector_store %arg7[%swap3A_232], %swap3A_235 {strides = array<i32>} : memref<32768xf32, #tpu.memory_space<vmem>>, vector<16xf32>,
      %eq3A_236 = arith.cmpi eq, %get3A_210, %broadcast_in_dim3A_11 : vector<16xi32>
      %select_n3A_237 = arith.select %eq3A_236, %broadcast_in_dim3A_3, %broadcast_in_dim3A_5 : vector<16xi1>, vector<16xf32>
      %add3A_238 = arith.constant 256 : i32
      %add3A_239 = arith.addi %add3A_219, %add3A_238 : i32
      %swap3A_240 = arith.index_cast %add3A_239 : i32 to index
      %swap3A_241 = tpu.vector_load %arg7[%swap3A_240] {strides = array<i32>} : memref<32768xf32, #tpu.memory_space<vmem>>, vector<16xf32>,
      %swap3A_242 = vector.shape_cast %swap3A_241 : vector<16xf32> to vector<16xf32>
      %swap3A_243 = vector.shape_cast %select_n3A_237 : vector<16xf32> to vector<16xf32>
      tpu.vector_store %arg7[%swap3A_240], %swap3A_243 {strides = array<i32>} : memref<32768xf32, #tpu.memory_space<vmem>>, vector<16xf32>,
      %eq3A_244 = arith.cmpi eq, %get3A_210, %broadcast_in_dim3A_13 : vector<16xi32>
      %select_n3A_245 = arith.select %eq3A_244, %broadcast_in_dim3A_3, %broadcast_in_dim3A_5 : vector<16xi1>, vector<16xf32>
      %add3A_246 = arith.constant 384 : i32
      %add3A_247 = arith.addi %add3A_219, %add3A_246 : i32
      %swap3A_248 = arith.index_cast %add3A_247 : i32 to index
      %swap3A_249 = tpu.vector_load %arg7[%swap3A_248] {strides = array<i32>} : memref<32768xf32, #tpu.memory_space<vmem>>, vector<16xf32>,
      %swap3A_250 = vector.shape_cast %swap3A_249 : vector<16xf32> to vector<16xf32>
      %swap3A_251 = vector.shape_cast %select_n3A_245 : vector<16xf32> to vector<16xf32>
      tpu.vector_store %arg7[%swap3A_248], %swap3A_251 {strides = array<i32>} : memref<32768xf32, #tpu.memory_space<vmem>>, vector<16xf32>,
      %scan3A_252 = arith.constant 3 : i32
      %scan3A_253 = arith.addi %scan3A_115, %scan3A_252 : i32
      %mul3A_254 = arith.constant 16 : i32
      %mul3A_255 = arith.muli %scan3A_253, %mul3A_254 : i32
      %get3A_256 = arith.index_cast %mul3A_255 : i32 to index
      %get3A_257 = tpu.vector_load %arg5[%get3A_256] {strides = array<i32>} : memref<8192xi32, #tpu.memory_space<vmem>>, vector<16xi32>,
      %get3A_258 = vector.shape_cast %get3A_257 : vector<16xi32> to vector<16xi32>
      %shift_right_arithmetic3A_259 = arith.constant 3 : i32
      %shift_right_arithmetic3A_260 = arith.shrsi %scan3A_253, %shift_right_arithmetic3A_259 : i32
      %mul3A_261 = arith.constant 512 : i32
      %mul3A_262 = arith.muli %shift_right_arithmetic3A_260, %mul3A_261 : i32
      %and3A_263 = arith.constant 7 : i32
      %and3A_264 = arith.andi %scan3A_253, %and3A_263 : i32
      %mul3A_265 = arith.constant 16 : i32
      %mul3A_266 = arith.muli %and3A_264, %mul3A_265 : i32
      %add3A_267 = arith.addi %mul3A_262, %mul3A_266 : i32
      %eq3A_268 = arith.cmpi eq, %get3A_258, %broadcast_in_dim3A_7 : vector<16xi32>
      %select_n3A_269 = arith.select %eq3A_268, %broadcast_in_dim3A_3, %broadcast_in_dim3A_5 : vector<16xi1>, vector<16xf32>
      %add3A_270 = arith.constant 0 : i32
      %add3A_271 = arith.addi %add3A_267, %add3A_270 : i32
      %swap3A_272 = arith.index_cast %add3A_271 : i32 to index
      %swap3A_273 = tpu.vector_load %arg7[%swap3A_272] {strides = array<i32>} : memref<32768xf32, #tpu.memory_space<vmem>>, vector<16xf32>,
      %swap3A_274 = vector.shape_cast %swap3A_273 : vector<16xf32> to vector<16xf32>
      %swap3A_275 = vector.shape_cast %select_n3A_269 : vector<16xf32> to vector<16xf32>
      tpu.vector_store %arg7[%swap3A_272], %swap3A_275 {strides = array<i32>} : memref<32768xf32, #tpu.memory_space<vmem>>, vector<16xf32>,
      %eq3A_276 = arith.cmpi eq, %get3A_258, %broadcast_in_dim3A_9 : vector<16xi32>
      %select_n3A_277 = arith.select %eq3A_276, %broadcast_in_dim3A_3, %broadcast_in_dim3A_5 : vector<16xi1>, vector<16xf32>
      %add3A_278 = arith.constant 128 : i32
      %add3A_279 = arith.addi %add3A_267, %add3A_278 : i32
      %swap3A_280 = arith.index_cast %add3A_279 : i32 to index
      %swap3A_281 = tpu.vector_load %arg7[%swap3A_280] {strides = array<i32>} : memref<32768xf32, #tpu.memory_space<vmem>>, vector<16xf32>,
      %swap3A_282 = vector.shape_cast %swap3A_281 : vector<16xf32> to vector<16xf32>
      %swap3A_283 = vector.shape_cast %select_n3A_277 : vector<16xf32> to vector<16xf32>
      tpu.vector_store %arg7[%swap3A_280], %swap3A_283 {strides = array<i32>} : memref<32768xf32, #tpu.memory_space<vmem>>, vector<16xf32>,
      %eq3A_284 = arith.cmpi eq, %get3A_258, %broadcast_in_dim3A_11 : vector<16xi32>
      %select_n3A_285 = arith.select %eq3A_284, %broadcast_in_dim3A_3, %broadcast_in_dim3A_5 : vector<16xi1>, vector<16xf32>
      %add3A_286 = arith.constant 256 : i32
      %add3A_287 = arith.addi %add3A_267, %add3A_286 : i32
      %swap3A_288 = arith.index_cast %add3A_287 : i32 to index
      %swap3A_289 = tpu.vector_load %arg7[%swap3A_288] {strides = array<i32>} : memref<32768xf32, #tpu.memory_space<vmem>>, vector<16xf32>,
      %swap3A_290 = vector.shape_cast %swap3A_289 : vector<16xf32> to vector<16xf32>
      %swap3A_291 = vector.shape_cast %select_n3A_285 : vector<16xf32> to vector<16xf32>
      tpu.vector_store %arg7[%swap3A_288], %swap3A_291 {strides = array<i32>} : memref<32768xf32, #tpu.memory_space<vmem>>, vector<16xf32>,
      %eq3A_292 = arith.cmpi eq, %get3A_258, %broadcast_in_dim3A_13 : vector<16xi32>
      %select_n3A_293 = arith.select %eq3A_292, %broadcast_in_dim3A_3, %broadcast_in_dim3A_5 : vector<16xi1>, vector<16xf32>
      %add3A_294 = arith.constant 384 : i32
      %add3A_295 = arith.addi %add3A_267, %add3A_294 : i32
      %swap3A_296 = arith.index_cast %add3A_295 : i32 to index
      %swap3A_297 = tpu.vector_load %arg7[%swap3A_296] {strides = array<i32>} : memref<32768xf32, #tpu.memory_space<vmem>>, vector<16xf32>,
      %swap3A_298 = vector.shape_cast %swap3A_297 : vector<16xf32> to vector<16xf32>
      %swap3A_299 = vector.shape_cast %select_n3A_293 : vector<16xf32> to vector<16xf32>
      tpu.vector_store %arg7[%swap3A_296], %swap3A_299 {strides = array<i32>} : memref<32768xf32, #tpu.memory_space<vmem>>, vector<16xf32>,
    }
    %scan3A_96 = arith.constant 512 : i32
    %add3A_97 = arith.constant 24576 : i32
    %add3A_98 = arith.addi %mul3A_2, %add3A_97 : i32
    %mul3A_99 = arith.constant 4 : i32
    %mul3A_100 = arith.muli %add3A_98, %mul3A_99 : i32
    %dma_start3A_101 = tpu.memref_slice %arg3[%mul3A_100] : memref<4194304xf32, #tpu.memory_space<hbm>> -> memref<32768xf32, #tpu.memory_space<hbm>>
    %dma_start3A_102 = tpu.memref_slice %arg3[%mul3A_100] : memref<4194304xf32, #tpu.memory_space<hbm>> -> memref<32768xf32, #tpu.memory_space<hbm>>
    tpu.enqueue_dma source(%arg7 : memref<32768xf32, #tpu.memory_space<vmem>>) target(%dma_start3A_102 : memref<32768xf32, #tpu.memory_space<hbm>>) target_semaphore(%arg11 : memref<!tpu.dma_semaphore, #tpu.memory_space<semaphore_mem>>)
    %add3A_103 = arith.constant 16384 : i32
    %add3A_104 = arith.addi %mul3A_2, %add3A_103 : i32
    %mul3A_105 = arith.constant 4 : i32
    %mul3A_106 = arith.muli %add3A_104, %mul3A_105 : i32
    %dma_wait3A_107 = tpu.memref_slice %arg3[%mul3A_106] : memref<4194304xf32, #tpu.memory_space<hbm>> -> memref<32768xf32, #tpu.memory_space<hbm>>
    %dma_wait3A_108 = tpu.memref_slice %arg3[%mul3A_106] : memref<4194304xf32, #tpu.memory_space<hbm>> -> memref<32768xf32, #tpu.memory_space<hbm>>
    tpu.wait_dma2 semaphore(%arg10 : memref<!tpu.dma_semaphore, #tpu.memory_space<semaphore_mem>>) src(%arg6 : memref<32768xf32, #tpu.memory_space<vmem>>) dst(%dma_wait3A_108 : memref<32768xf32, #tpu.memory_space<hbm>>)
    %add3A_109 = arith.constant 24576 : i32
    %add3A_110 = arith.addi %mul3A_2, %add3A_109 : i32
    %mul3A_111 = arith.constant 4 : i32
    %mul3A_112 = arith.muli %add3A_110, %mul3A_111 : i32
    %dma_wait3A_113 = tpu.memref_slice %arg3[%mul3A_112] : memref<4194304xf32, #tpu.memory_space<hbm>> -> memref<32768xf32, #tpu.memory_space<hbm>>
    %dma_wait3A_114 = tpu.memref_slice %arg3[%mul3A_112] : memref<4194304xf32, #tpu.memory_space<hbm>> -> memref<32768xf32, #tpu.memory_space<hbm>>
    tpu.wait_dma2 semaphore(%arg11 : memref<!tpu.dma_semaphore, #tpu.memory_space<semaphore_mem>>) src(%arg7 : memref<32768xf32, #tpu.memory_space<vmem>>) dst(%dma_wait3A_114 : memref<32768xf32, #tpu.memory_space<hbm>>)
    return
  }
}

</mosaic_0001>

<sc_bundles>
// kernel: kernel.3.cloned.1.call-start
scs
__scs_entry_jumppad:
0x0: {  	(pc) =	sbr.rel $0x88, $3  }
0x1: {  	(tag) =	ssettag $0x0;
	lr =	simm.s32 $0x1  }
0x2: {  	[smem:$0x3FA0] =	sst lr;
	_ =	strace $0xD0000000  }
0x3: {  	_ = 	snop  }
0x4: {  	_ = 	snop  }
0x5: {  	_ = 	snop  }
0x6: {  	_ = 	snop  }
0x7: {  	_ = 	snop  }
__scs_overlays_trampoline_lowered:
0x8: {  	[smem:$0x3FAF] =	sst s0  }
0x9: {  	[smem:$0x3FB0] =	sst s1  }
0xa: {  	[smem:$0x3FB1] =	sst s2  }
0xb: {  	[smem:$0x3FB2] =	sst s3  }
0xc: {  	[smem:$0x3FB3] =	sst s4  }
0xd: {  	[smem:$0x3FB4] =	sst s5  }
0xe: {  	[smem:$0x3FB5] =	sst s6  }
0xf: {  	[smem:$0x3FB6] =	sst s7  }
0x10: {  	[smem:$0x3FB7] =	sst s8  }
0x11: {  	[smem:$0x3FB8] =	sst s9;
	s0 =	simm.s32 @!p0 $0x0  }
0x12: {  	s1 =	sld [smem:$0x3F9E];
	s0 =	simm.s32 @p0 $0x1  }
0x13: {  	[smem:$0x3FB9] =	sst s0;
	s0 =	simm.s32 @!p1 $0x0  }
0x14: {  	s2 =	sld [smem:$0x3F9D];
	s0 =	simm.s32 @p1 $0x1  }
0x15: {  	[smem:$0x3FBA] =	sst s0;
	s0 =	simm.s32 @!p2 $0x0  }
0x16: {  	s3 =	sld [smem:$0x3FDB];
	s0 =	simm.s32 @p2 $0x1  }
0x17: {  	s4 =	simm.s32 $0x1BF5;
	[smem:$0x3FBC] =	sst s0  }
0x18: {  	s0 =	sld [smem:$0x3F9F];
	_ =	swait.ge [sflag:s4], $0x0  }
0x19: {  	s7 =	sld [smem:$0x3FA0]  }
0x1a: {  	s8 =	sadd.s32 $0xFFFFE003, lr  }
0x1b: {  	s9 =	sadd.s32 $0xFFFFFEF7, lr;
	s5 =	simm.s32 $0xFFFFFFFF;
	p2 =	slt.u32 s8, $0xFFFFF086  }
0x1c: {  	p1 =	slt.u32 s9, $0xF7A;
	s5 =	simm.s32 @!p2 $0x0  }
0x1d: {  	s5 =	simm.s32 @p1 $0x1;
	p0 =	seq.s32 s7, s2  }
0x1e: {  	s7 =	smul.u32 @!p0 $0xF7A, s2;
	p2 =	seq.s32 @!p0 s5, $0x0  }
0x1f: {  	s9 =	smul.u32 $0xF7A, s1;
	s8 =	simm.s32 @!p0 $0x1BF5;
	p2 =	por !p2, p0  }
0x20: {  	[sflag:s8] =	ssyncset.s32 @!p0 $0xFFFFF086;
	s6 =	sadd.s32 @!p0 s3, s7;
	s7 =	simm.s32 @!p0 $0x108  }
0x21: {  	s3 =	sadd.s32 s3, s9;
	s6 =	sadd.s32 @!p0 $0x88, s6;
	s7 =	simm.s32 @p2 $0x1082  }
0x22: {  	[simem:s7], [sflag:s8] =	dma.local @!p0 [hbm:s6], $0xF7A  }
0x23: {  	s9 =	sor.u32 $0xD0000000, s2;
	s6 =	simm.s32 $0x108;
	_ =	swait.ge @!p0 [sflag:s8], $0x0  }
0x24: {  	s3 =	sadd.s32 $0x88, s3;
	s6 =	simm.s32 @!p1 $0x1082;
	[sflag:s4] =	ssyncset.s32 $0xFFFFF086  }
0x25: {  	[simem:s6], [sflag:s4] =	dma.local [hbm:s3], $0xF7A  }
0x26: {  	[smem:$0x3FA0] =	sst s1;
	(tag) =	ssettag s2;
	_ =	strace s9  }
0x27: {  	s1 =	sld [smem:$0x3FB0]  }
0x28: {  	s2 =	sld [smem:$0x3FB1]  }
0x29: {  	s4 =	sld [smem:$0x3FB3]  }
0x2a: {  	p0 =	seq.s32 s5, $0x0;
	s5 =	sld [smem:$0x3FB4]  }
0x2b: {  	s6 =	sld [smem:$0x3FB5]  }
0x2c: {  	s7 =	sld [smem:$0x3FB6]  }
0x2d: {  	s3 =	simm.s32 $0x108;
	s8 =	sld [smem:$0x3FB7]  }
0x2e: {  	s3 =	simm.s32 @!p0 $0x1082;
	s9 =	sld [smem:$0x3FB8]  }
0x2f: {  	lr =	sadd.s32 s0, s3;
	s0 =	sld [smem:$0x3FAF]  }
0x30: {  	s3 =	sld [smem:$0x3FB2]  }
0x31: {  	[smem:$0x3FBB] =	sst s10  }
0x32: {  	s10 =	sld [smem:$0x3FB9];
	_ =	sdelay $0x3  }
0x33: {  	p0 =	seq.s32 s10, $0x1;
	s10 =	sld [smem:$0x3FBB];
	_ =	sdelay $0x3  }
0x34: {  	[smem:$0x3FBB] =	sst s10  }
0x35: {  	s10 =	sld [smem:$0x3FBA];
	_ =	sdelay $0x3  }
0x36: {  	p1 =	seq.s32 s10, $0x1;
	s10 =	sld [smem:$0x3FBB];
	_ =	sdelay $0x3  }
0x37: {  	[smem:$0x3FBB] =	sst s10  }
0x38: {  	s10 =	sld [smem:$0x3FBC]  }
0x39: {  	_ = 	snop;
	(pc) =	sbr.ind lr, $3  }
0x3a: {  	_ = 	snop  }
0x3b: {  	_ = 	snop  }
0x3c: {  	p2 =	seq.s32 s10, $0x1;
	s10 =	sld [smem:$0x3FBB]  }
0x3d: {  	_ =	shalt  }
0x3e: {  	_ =	shalt  }
0x3f: {  	_ =	shalt  }
0x40: {  	_ =	shalt  }
0x41: {  	_ =	shalt  }
0x42: {  	_ =	shalt  }
0x43: {  	_ =	shalt  }
0x44: {  	_ =	shalt  }
0x45: {  	_ =	shalt  }
0x46: {  	_ =	shalt  }
0x47: {  	_ =	shalt  }
0x48: {  	_ =	shalt  }
0x49: {  	_ =	shalt  }
0x4a: {  	_ =	shalt  }
0x4b: {  	_ =	shalt  }
0x4c: {  	_ =	shalt  }
0x4d: {  	_ =	shalt  }
0x4e: {  	_ =	shalt  }
0x4f: {  	_ =	shalt  }
0x50: {  	_ =	shalt  }
0x51: {  	_ =	shalt  }
0x52: {  	_ =	shalt  }
0x53: {  	_ =	shalt  }
0x54: {  	_ =	shalt  }
0x55: {  	_ =	shalt  }
0x56: {  	_ =	shalt  }
0x57: {  	_ =	shalt  }
0x58: {  	_ =	shalt  }
0x59: {  	_ =	shalt  }
0x5a: {  	_ =	shalt  }
0x5b: {  	_ =	shalt  }
0x5c: {  	_ =	shalt  }
0x5d: {  	_ =	shalt  }
0x5e: {  	_ =	shalt  }
0x5f: {  	_ =	shalt  }
0x60: {  	_ =	shalt  }
0x61: {  	_ =	shalt  }
0x62: {  	_ =	shalt  }
0x63: {  	_ =	shalt  }
0x64: {  	_ =	shalt  }
0x65: {  	_ =	shalt  }
0x66: {  	_ =	shalt  }
0x67: {  	_ =	shalt  }
0x68: {  	_ =	shalt  }
0x69: {  	_ =	shalt  }
0x6a: {  	_ =	shalt  }
0x6b: {  	_ =	shalt  }
0x6c: {  	_ =	shalt  }
0x6d: {  	_ =	shalt  }
0x6e: {  	_ =	shalt  }
0x6f: {  	_ =	shalt  }
0x70: {  	_ =	shalt  }
0x71: {  	_ =	shalt  }
0x72: {  	_ =	shalt  }
0x73: {  	_ =	shalt  }
0x74: {  	_ =	shalt  }
0x75: {  	_ =	shalt  }
0x76: {  	_ =	shalt  }
0x77: {  	_ =	shalt  }
0x78: {  	_ =	shalt  }
0x79: {  	_ =	shalt  }
0x7a: {  	_ =	shalt  }
0x7b: {  	_ =	shalt  }
0x7c: {  	_ =	shalt  }
0x7d: {  	_ =	shalt  }
0x7e: {  	_ =	shalt  }
0x7f: {  	_ =	shalt  }
0x80: {  	_ =	shalt  }
0x81: {  	_ =	shalt  }
0x82: {  	_ =	shalt  }
0x83: {  	_ =	shalt  }
0x84: {  	_ =	shalt  }
0x85: {  	_ =	shalt  }
0x86: {  	_ =	shalt  }
0x87: {  	_ =	shalt  }
.Lfunc_end0:
.L_simem_size_0:
called_computation_lowered:
.L_overlay_start_0:
0x88: {  	s2 =	sld [smem:$0x3FD9]  }
0x89: {  	s3 =	sld [smem:$0x3FFE];
	_ =	sdelay $0x1  }
0x8a: {  	s1 =	srdreg.scid  }
0x8b: {  	s0 =	sand.u32 $0x1, s1  }
0x8c: {  	s18 =	sshll.u32 s0, $0xA;
	s2 =	sadd.s32 s3, s2  }
0x8d: {  	s2 =	sadd.s32 s2, s18  }
0x8e: {  	[smem:$0x3FC7] =	sst s2  }
0x8f: {  	_ = 	snop  }
0x90: {  	s2 =	sld [smem:$0x3FC9]  }
0x91: {  	s19 =	sld [smem:$0x3FD0];
	(tm) =	ssettm $0x1  }
0x92: {  	s4 =	sld [smem:$0x3FFB];
	_ =	sdelay $0x3  }
0x93: {  	_ =	strace s4  }
0x94: {  	s4 =	sld [smem:$0x3FFC];
	_ =	sdelay $0x3  }
0x95: {  	_ =	strace s4  }
0x96: {  	s4 =	sld [smem:$0x3FFD];
	_ =	sdelay $0x3  }
0x97: {  	_ =	strace s4  }
0x98: {  	_ =	strace $0x8FFFFFFF  }
0x99: {  	s20 =	sld [smem:$0x3FDB];
	_ =	sdelay $0x1  }
0x9a: {  	s5 =	simm.s32 $_scs_section_size  }
0x9b: {  	s6 =	simm.s32 $_size__tile_overlayer_lowered;
	s7 =	simm.s32 $_tile_overlayer_lowered  }
0x9c: {  	s23 =	simm.s32 $0x1BFF;
	s22 =	sshll.u32 s7, $0x1;
	s4 =	sadd.s32 s5, s20  }
0x9d: {  	s8 =	simm.s32 $0x0;
	s21 =	sshll.u32 s6, $0x1;
	s6 =	sadd.s32 s22, s4  }
0x9e: {  	[timem:s8], [sflag:s23] =	dma.local [hbm:s6], s21  }
0x9f: {  	_ =	swait.ge [sflag:s23], s21  }
0xa0: {  	s5 =	ssub.s32 $0x0, s21;
	[sflag:s23] =	ssyncset.done $0x0  }
0xa1: {  	[sflag:s23] =	ssyncadd.s32 s5;
	_ =	sdelay $0x1  }
0xa2: {  	s24 =	simm.s32 $0x1B8B  }
0xa3: {  	_ =	swait.ge [sflag:s24], $0x1  }
0xa4: {  	[sflag:s24] =	ssyncset.done $0x0  }
0xa5: {  	s25 =	simm.s32 $0x1B8E;
	[sflag:s24] =	ssyncadd.s32 $0xFFFFFFFF  }
0xa6: {  	s26 =	simm.s32 $execute0_lowered;
	[smem:$0x3FD2] =	sst s25  }
0xa7: {  	s5 =	sshll.u32 s26, $0x1;
	_ =	strace $0x80000046;
	[dreg:$0x1] =	wrdreg $0xFFFFFFFF  }
0xa8: {  	s28 =	simm.s32 $_size_execute0_lowered;
	s4 =	sadd.s32 s4, s5;
	[dreg:$0x0] =	wrdreg $0x0  }
0xa9: {  	s5 =	sshll.u32 s28, $0x1;
	[dreg:$0x2] =	wrdreg s4  }
0xaa: {  	[dreg:$0x3] =	wrdreg s5  }
0xab: {  	[dreg:$0x4] =	wrdreg $0xC0  }
0xac: {  	_ =	task [dreg:s8], $0x5FFFF  }
0xad: {  	[dreg:$0x1] =	wrdreg $0xFFFFFFFF  }
0xae: {  	[dreg:$0x0] =	wrdreg $0x60  }
0xaf: {  	[dreg:$0x2] =	wrdreg s2  }
0xb0: {  	[dreg:$0x3] =	wrdreg s19  }
0xb1: {  	[dreg:$0x4] =	wrdreg $0x9  }
0xb2: {  	_ =	task.clear_ibuf [dreg:s8], $0x5FFFF;
	_ =	strace $0x90000046  }
0xb3: {  	s29 =	simm.s32 $0x9;
	_ =	strace $0x80000048  }
0xb4: {  	_ =	swait.ge [sflag:s29], $0x1  }
0xb5: {  	[sflag:s29] =	ssyncadd.s32 $0xFFFFFFFF  }
0xb6: {  	_ =	strace $0x90000048  }
0xb7: {  	_ =	sfence  }
0xb8: {  	s30 =	sld [smem:$0x0];
	_ =	sdelay $0x2  }
0xb9: {  	s31 =	sshll.u32 s1, $0xD;
	s1 =	sshrl.u32 s1, $0x2  }
0xba: {  	s3 =	sand.u32 $0x4000, s31;
	s1 =	sadd.s32 s1, s30  }
0xbb: {  	s0 =	sor.u32 s3, s0;
	s1 =	sshll.u32 s1, $0x11  }
0xbc: {  	s0 =	sor.u32 s1, s0  }
0xbd: {  	s0 =	sadd.s32 $0x8F2B, s0  }
0xbe: {  	[sflag:s0] =	ssyncadd.remote.s32 $0x1  }
0xbf: {  	_ =	sfence.sel $0xFFFF  }
0xc0: {  	[dreg:$0x0] =	wrdreg $0xFFFFFFFF;
	(pc) =	sbr.abs _section_cstart, $3  }
0xc1: {  	[dreg:$0x1] =	wrdreg $0xFFFFFFFF  }
0xc2: {  	_ =	task.clear_ibuf [dreg:s8], $0x2FFFF;
	_ =	strace $0x9FFFFFFF  }
0xc3: {  	(tm) =	ssettm $0x7FFFFFFF  }
tec
execute0_lowered:
.L_overlay_start_1:
0x0: {  	(tag) =	ssettag $0x1  }
0x1: {  	s8 =	rddreg [dreg:$0x0]  }
0x2: {  	s10 =	rddreg [dreg:$0x1]  }
0x3: {  	s0 =	rddreg [dreg:$0x2];
	s3 =	srdreg.scid  }
0x4: {  	s1 =	stileid.u32;
	s2 =	simm.s32 $0x0;
	s15 =	simm.s32 $0x2  }
0x5: {  	s16 =	simm.s32 $0xC000;
	s17 =	simm.s32 $0x3;
	s18 =	simm.s32 $0x4  }
0x6: {  	s19 =	simm.s32 $0x0;
	s3 =	sand.u32 $0x1, s3;
	s4 =	sshll.u32 s1, $0x1  }
0x7: {  	[smem:$0x7FF] =	sst s2;
	s5 =	sor.u32 s3, s4;
	s3 =	ssub.s32 $0x2, s3  }
0x8: {  	_ =	strace $0x80000047;
	s9 =	sshll.u32 s5, $0xF;
	s29 =	sshrl.u32 s3, $0x1  }
0x9: {  	s6 =	sshll.u32 s5, $0xC;
	s5 =	sshll.u32 s5, $0xE;
	s7 =	sor.u32 $0x2000, s9  }
0xa: {  	s11 =	ssub.s32 s3, s29;
	s3 =	sadd.s32 s8, s6;
	s12 =	sor.u32 $0x4000, s9  }
0xb: {  	s5 =	sadd.s32 s10, s5;
	s9 =	sor.u32 $0x6000, s9;
	s30 =	sshrl.u32 s7, $0x3  }
0xc: {  	s31 =	sshrl.u32 s12, $0x3;
	s7 =	sshrl.u32 s7, $0x1;
	s13 =	sshrl.u32 s9, $0x3  }
0xd: {  	s12 =	sshrl.u32 s12, $0x1;
	s14 =	sshrl.u32 s9, $0x1;
	s11 =	smax.u32 s11, $0x1  }
0xe: {  	s4 =	sadd.s32 s8, s30;
	s6 =	sadd.s32 s8, s31;
	s7 =	sadd.s32 s10, s7  }
0xf: {  	s8 =	sadd.s32 s8, s13;
	s9 =	sadd.s32 s10, s12;
	s10 =	sadd.s32 s10, s14  }
0x10: {  	v0 =	vimm.f32 $0.0e+00;
	s12 =	simm.s32 $0x2000;
	s13 =	simm.s32 $0x1;
	s14 =	simm.s32 $0x4000  }
.LBB2_1:
0x11: {  	[tilespmem:s2], [sflag:$0x1] =	stream.linear.gather [hbm4b:s3+s2], $0x2000, $0x38;
	[tilespmem:$0x14000] =	vst v63  }
0x12: {  	_ = 	snop  }
0x13: {  	[tilespmem:s12], [sflag:$0x2] =	stream.linear.gather [hbm4b:s4+s2], $0x2000, $0x38;
	[tilespmem:$0x14000] =	vst v63  }
0x14: {  	_ =	swait.ge [sflag:s13], $0x2000  }
0x15: {  	[sflag:s13] =	ssyncset.done $0x0  }
0x16: {  	s24 =	simm.s32 $0x0;
	[sflag:s13] =	ssyncadd.s32 $0xFFFFE000  }
0x17: {  	v1 =	vld [tilespmem:s24+$0x0];
	_ =	sdelay $0x2  }
0x18: {  	p0 =	por $0x0, $0x0  }
0x19: {  	s20 =	sand.u32 $0x7E00, s2;
	s21 =	simm.s32 $0x0;
	s22 =	simm.s32 $0x1  }
0x1a: {  	s22 =	simm.s32 @!p0 $0x0;
	s21 =	sand.u32 $0x40, s21;
	s20 =	sadd.s32 $0x4000, s20;
	vm0 =	veq.s32 v1, $0x0  }
0x1b: {  	s22 =	sshll.u32 s22, $0x6;
	s21 =	sor.u32 s21, s20;
	vm1 =	veq.s32 v1, $0x1;
	v2 =	vsel vm0, $0x3F800000, v0  }
0x1c: {  	s22 =	sadd.s32 $0x0, s22;
	vm6 =	veq.s32 v1, $0x2;
	v3 =	vsel vm1, $0x3F800000, v0;
	[tilespmem:s21+$0x0] =	vst v2  }
0x1d: {  	s26 =	sor.u32 $0x100, s22;
	vm7 =	veq.s32 v1, $0x3;
	v1 =	vsel vm6, $0x3F800000, v0;
	[tilespmem:s21+$0x80] =	vst v3  }
0x1e: {  	s28 =	sor.u32 $0x180, s22;
	[tilespmem:s26+$0x4000] =	vst v1;
	v1 =	vsel vm7, $0x3F800000, v0  }
0x1f: {  	[tilespmem:s28+$0x4000] =	vst v1  }
0x20: {  	v1 =	vld [tilespmem:s24+$0x10];
	_ =	sdelay $0x3  }
0x21: {  	s30 =	sand.u32 $0x7, s2;
	s31 =	simm.s32 $0x10  }
0x22: {  	s22 =	sand.u32 $0x50, s31;
	s21 =	sshll.u32 s30, $0x4;
	vm8 =	veq.s32 v1, $0x0  }
0x23: {  	s22 =	sor.u32 s22, s20;
	s23 =	sadd.s32 $0x0, s21;
	vm9 =	veq.s32 v1, $0x1;
	v2 =	vsel vm8, $0x3F800000, v0  }
0x24: {  	s25 =	sadd.s32 $0x10, s23;
	vm10 =	veq.s32 v1, $0x2;
	v3 =	vsel vm9, $0x3F800000, v0;
	[tilespmem:s22+$0x0] =	vst v2  }
0x25: {  	s26 =	sor.u32 $0x100, s25;
	vm11 =	veq.s32 v1, $0x3;
	v1 =	vsel vm10, $0x3F800000, v0;
	[tilespmem:s22+$0x80] =	vst v3  }
0x26: {  	s28 =	sor.u32 $0x180, s25;
	[tilespmem:s26+$0x4000] =	vst v1;
	v1 =	vsel vm11, $0x3F800000, v0  }
0x27: {  	[tilespmem:s28+$0x4000] =	vst v1  }
0x28: {  	v1 =	vld [tilespmem:s24+$0x20];
	_ =	sdelay $0x3  }
0x29: {  	s31 =	simm.s32 $0x20;
	s30 =	sand.u32 $0x3, s2  }
0x2a: {  	s21 =	sshll.u32 s30, $0x5;
	s22 =	sand.u32 $0x60, s31;
	vm12 =	veq.s32 v1, $0x0  }
0x2b: {  	s21 =	sadd.s32 $0x0, s21;
	s22 =	sor.u32 s22, s20;
	vm13 =	veq.s32 v1, $0x1;
	v2 =	vsel vm12, $0x3F800000, v0  }
0x2c: {  	s25 =	sadd.s32 $0x20, s21;
	vm14 =	veq.s32 v1, $0x2;
	v3 =	vsel vm13, $0x3F800000, v0;
	[tilespmem:s22+$0x0] =	vst v2  }
0x2d: {  	s26 =	sor.u32 $0x100, s25;
	vm15 =	veq.s32 v1, $0x3;
	v1 =	vsel vm14, $0x3F800000, v0;
	[tilespmem:s22+$0x80] =	vst v3  }
0x2e: {  	s25 =	sor.u32 $0x180, s25;
	[tilespmem:s26+$0x4000] =	vst v1;
	v1 =	vsel vm15, $0x3F800000, v0  }
0x2f: {  	[tilespmem:s25+$0x4000] =	vst v1  }
0x30: {  	p0 =	por !p0, !p0;
	s29 =	sadd.s32 $0x30, s23;
	v1 =	vld [tilespmem:s24+$0x30]  }
0x31: {  	s23 =	simm.s32 $0x4;
	s21 =	simm.s32 $0x30;
	s22 =	simm.s32 $0x0  }
0x32: {  	s26 =	simm.s32 $0x30;
	s25 =	simm.s32 $0x0;
	s24 =	simm.s32 $0x2  }
.LBB2_2:
0x33: {  	s22 =	sadd.s32 $0x4, s22;
	s21 =	sadd.s32 $0x40, s21;
	s25 =	sadd.s32 $0x100, s25  }
0x34: {  	p1 =	slt.u32 s22, $0x1FC  }
0x35: {  	s28 =	sand.u32 $0x70, s26;
	s26 =	smov.u32 s21;
	vm0 =	veq.s32 v1, $0x0;
	vm1 =	veq.s32 v1, $0x1;
	vm2 =	veq.s32 v1, $0x2  }
0x36: {  	s20 =	sor.u32 s28, s20;
	v2 =	vsel vm0, $0x3F800000, v0;
	v3 =	vsel vm1, $0x3F800000, v0;
	v4 =	vsel vm2, $0x3F800000, v0  }
0x37: {  	s30 =	sor.u32 $0x100, s29;
	s28 =	sshra.s32 s25, $0x2;
	vm0 =	veq.s32 v1, $0x3;
	[tilespmem:s20+$0x0] =	vst v2  }
0x38: {  	[tilespmem:s20+$0x80] =	vst v3;
	s20 =	sor.u32 $0x180, s29  }
0x39: {  	v1 =	vsel vm0, $0x3F800000, v0;
	[tilespmem:s30+$0x4000] =	vst v4  }
0x3a: {  	[tilespmem:s20+$0x4000] =	vst v1  }
0x3b: {  	v1 =	vld [tilespmem:s28+$0x0];
	_ =	sdelay $0x3  }
0x3c: {  	s29 =	sadd.s32 $0xFFFFFFD0, s21;
	s30 =	simm.s32 $0x1;
	s20 =	sand.u32 $0x7E00, s25  }
0x3d: {  	s29 =	sand.u32 $0x40, s29;
	s30 =	simm.s32 @!p0 $0x0;
	s20 =	sadd.s32 $0x4000, s20;
	vm0 =	veq.s32 v1, $0x0;
	vm1 =	veq.s32 v1, $0x1;
	vm2 =	veq.s32 v1, $0x2  }
0x3e: {  	s30 =	sshll.u32 s30, $0x6;
	s29 =	sor.u32 s29, s20;
	v2 =	vsel vm0, $0x3F800000, v0;
	v3 =	vsel vm1, $0x3F800000, v0;
	vm0 =	veq.s32 v1, $0x3  }
0x3f: {  	s30 =	sadd.s32 s30, s25;
	[tilespmem:s29+$0x0] =	vst v2  }
0x40: {  	v1 =	vsel vm2, $0x3F800000, v0;
	[tilespmem:s29+$0x80] =	vst v3;
	s29 =	sor.u32 $0x100, s30  }
0x41: {  	[tilespmem:s29+$0x4000] =	vst v1;
	v1 =	vsel vm0, $0x3F800000, v0;
	s29 =	sor.u32 $0x180, s30  }
0x42: {  	[tilespmem:s29+$0x4000] =	vst v1  }
0x43: {  	v1 =	vld [tilespmem:s28+$0x10];
	_ =	sdelay $0x3  }
0x44: {  	s30 =	sadd.s32 $0xFFFFFFE0, s21;
	s29 =	sand.u32 $0x7, s23  }
0x45: {  	s30 =	sand.u32 $0x50, s30;
	s29 =	sshll.u32 s29, $0x4;
	vm0 =	veq.s32 v1, $0x0;
	vm1 =	veq.s32 v1, $0x1;
	vm2 =	veq.s32 v1, $0x2  }
0x46: {  	s30 =	sor.u32 s30, s20;
	s31 =	sadd.s32 s25, s29;
	v2 =	vsel vm0, $0x3F800000, v0;
	v3 =	vsel vm1, $0x3F800000, v0;
	vm0 =	veq.s32 v1, $0x3  }
0x47: {  	s29 =	sadd.s32 $0x30, s31;
	s31 =	sadd.s32 $0x10, s31;
	[tilespmem:s30+$0x0] =	vst v2  }
0x48: {  	v1 =	vsel vm2, $0x3F800000, v0;
	[tilespmem:s30+$0x80] =	vst v3;
	s30 =	sor.u32 $0x100, s31  }
0x49: {  	[tilespmem:s30+$0x4000] =	vst v1;
	v1 =	vsel vm0, $0x3F800000, v0;
	s30 =	sor.u32 $0x180, s31  }
0x4a: {  	[tilespmem:s30+$0x4000] =	vst v1  }
0x4b: {  	v1 =	vld [tilespmem:s28+$0x20];
	_ =	sdelay $0x3  }
0x4c: {  	s31 =	sadd.s32 $0xFFFFFFF0, s21;
	s30 =	sand.u32 $0x3, s24  }
0x4d: {  	s31 =	sand.u32 $0x60, s31;
	s30 =	sshll.u32 s30, $0x5;
	vm0 =	veq.s32 v1, $0x0;
	vm1 =	veq.s32 v1, $0x1;
	vm2 =	veq.s32 v1, $0x2  }
0x4e: {  	s31 =	sor.u32 s31, s20;
	s30 =	sadd.s32 s25, s30;
	v2 =	vsel vm0, $0x3F800000, v0;
	v3 =	vsel vm1, $0x3F800000, v0;
	vm0 =	veq.s32 v1, $0x3  }
0x4f: {  	s30 =	sadd.s32 $0x20, s30;
	[tilespmem:s31+$0x0] =	vst v2  }
0x50: {  	v1 =	vsel vm2, $0x3F800000, v0;
	[tilespmem:s31+$0x80] =	vst v3;
	s31 =	sor.u32 $0x100, s30  }
.Ltmp0:
0x51: {  	s30 =	sor.u32 $0x180, s30;
	[tilespmem:s31+$0x4000] =	vst v1;
	v1 =	vsel vm0, $0x3F800000, v0;
	(pc) =	sbr.rel @p1 .LBB2_2-.Ltmp0, $3  }
0x52: {  	[tilespmem:s30+$0x4000] =	vst v1  }
0x53: {  	v1 =	vld [tilespmem:s28+$0x30];
	_ =	sdelay $0x1  }
0x54: {  	p0 =	por !p0, !p0;
	s23 =	sadd.s32 $0x4, s23;
	s24 =	sadd.s32 $0x2, s24  }
0x55: {  	_ =	sdelay $0x1  }
0x56: {  	s21 =	sand.u32 $0x70, s26;
	vm0 =	veq.s32 v1, $0x0  }
0x57: {  	s20 =	sor.u32 s21, s20;
	vm1 =	veq.s32 v1, $0x1;
	v2 =	vsel vm0, $0x3F800000, v0  }
0x58: {  	vm14 =	veq.s32 v1, $0x2;
	v3 =	vsel vm1, $0x3F800000, v0;
	[tilespmem:s20+$0x0] =	vst v2  }
0x59: {  	s26 =	sor.u32 $0x100, s29;
	vm15 =	veq.s32 v1, $0x3;
	v2 =	vsel vm14, $0x3F800000, v0;
	[tilespmem:s20+$0x80] =	vst v3  }
0x5a: {  	s28 =	sor.u32 $0x180, s29;
	v1 =	vsel vm15, $0x3F800000, v0;
	[tilespmem:s26+$0x4000] =	vst v2  }
0x5b: {  	s20 =	simm.s32 $0x0;
	[tilespmem:s28+$0x4000] =	vst v1  }
0x5c: {  	[hbm4b:s5+s20] =	stream.linear.scatter [tilespmem:s14], [sflag:$0x3], $0x8000, $0x38;
	[tilespmem:$0x14000] =	vst v63  }
0x5d: {  	_ = 	snop  }
0x5e: {  	[tilespmem:s20], [sflag:$0x1] =	stream.linear.gather [hbm4b:s6+s20], $0x2000, $0x38;
	[tilespmem:$0x14000] =	vst v63  }
0x5f: {  	_ =	swait.ge [sflag:s15], $0x2000  }
0x60: {  	[sflag:s15] =	ssyncset.done $0x0  }
0x61: {  	s24 =	simm.s32 $0x0;
	[sflag:s15] =	ssyncadd.s32 $0xFFFFE000  }
0x62: {  	v1 =	vld [tilespmem:s24+$0x2000];
	_ =	sdelay $0x2  }
0x63: {  	p0 =	por $0x0, $0x0  }
0x64: {  	s22 =	simm.s32 $0x0;
	s23 =	simm.s32 $0x1;
	s30 =	sand.u32 $0x7E00, s20  }
0x65: {  	s23 =	simm.s32 @!p0 $0x0;
	s22 =	sand.u32 $0x40, s22;
	s21 =	sadd.s32 $0xC000, s30;
	vm4 =	veq.s32 v1, $0x0  }
0x66: {  	s23 =	sshll.u32 s23, $0x6;
	s22 =	sor.u32 s22, s21;
	vm5 =	veq.s32 v1, $0x1;
	v2 =	vsel vm4, $0x3F800000, v0  }
0x67: {  	s23 =	sadd.s32 $0x0, s23;
	vm6 =	veq.s32 v1, $0x2;
	v3 =	vsel vm5, $0x3F800000, v0;
	[tilespmem:s22+$0x0] =	vst v2  }
0x68: {  	s31 =	sor.u32 $0x100, s23;
	vm7 =	veq.s32 v1, $0x3;
	v1 =	vsel vm6, $0x3F800000, v0;
	[tilespmem:s22+$0x80] =	vst v3  }
0x69: {  	s23 =	sor.u32 $0x180, s23;
	[tilespmem:s31+$0xC000] =	vst v1;
	v1 =	vsel vm7, $0x3F800000, v0  }
0x6a: {  	[tilespmem:s23+$0xC000] =	vst v1  }
0x6b: {  	v1 =	vld [tilespmem:s24+$0x2010];
	_ =	sdelay $0x3  }
0x6c: {  	s25 =	sand.u32 $0x7, s20;
	s26 =	simm.s32 $0x10  }
0x6d: {  	s22 =	sshll.u32 s25, $0x4;
	s23 =	sand.u32 $0x50, s26;
	vm8 =	veq.s32 v1, $0x0  }
0x6e: {  	s25 =	sadd.s32 $0x0, s22;
	s28 =	sor.u32 s23, s21;
	vm9 =	veq.s32 v1, $0x1;
	v2 =	vsel vm8, $0x3F800000, v0  }
0x6f: {  	s30 =	sadd.s32 $0x10, s25;
	vm10 =	veq.s32 v1, $0x2;
	v3 =	vsel vm9, $0x3F800000, v0;
	[tilespmem:s28+$0x0] =	vst v2  }
0x70: {  	s31 =	sor.u32 $0x100, s30;
	vm11 =	veq.s32 v1, $0x3;
	v1 =	vsel vm10, $0x3F800000, v0;
	[tilespmem:s28+$0x80] =	vst v3  }
0x71: {  	s23 =	sor.u32 $0x180, s30;
	[tilespmem:s31+$0xC000] =	vst v1;
	v1 =	vsel vm11, $0x3F800000, v0  }
0x72: {  	[tilespmem:s23+$0xC000] =	vst v1  }
0x73: {  	v1 =	vld [tilespmem:s24+$0x2020];
	_ =	sdelay $0x3  }
0x74: {  	s26 =	sand.u32 $0x3, s20;
	s28 =	simm.s32 $0x20  }
0x75: {  	s22 =	sshll.u32 s26, $0x5;
	s23 =	sand.u32 $0x60, s28;
	vm12 =	veq.s32 v1, $0x0  }
0x76: {  	s22 =	sadd.s32 $0x0, s22;
	s23 =	sor.u32 s23, s21;
	vm13 =	veq.s32 v1, $0x1;
	v2 =	vsel vm12, $0x3F800000, v0  }
0x77: {  	s30 =	sadd.s32 $0x20, s22;
	vm14 =	veq.s32 v1, $0x2;
	v3 =	vsel vm13, $0x3F800000, v0;
	[tilespmem:s23+$0x0] =	vst v2  }
0x78: {  	s31 =	sor.u32 $0x100, s30;
	vm15 =	veq.s32 v1, $0x3;
	v1 =	vsel vm14, $0x3F800000, v0;
	[tilespmem:s23+$0x80] =	vst v3  }
0x79: {  	s26 =	sor.u32 $0x180, s30;
	[tilespmem:s31+$0xC000] =	vst v1;
	v1 =	vsel vm15, $0x3F800000, v0  }
0x7a: {  	[tilespmem:s26+$0xC000] =	vst v1  }
0x7b: {  	p0 =	por !p0, !p0;
	v1 =	vld [tilespmem:s24+$0x2030]  }
0x7c: {  	s29 =	sadd.s32 $0x30, s25;
	s25 =	simm.s32 $0x2;
	s22 =	simm.s32 $0x30  }
0x7d: {  	s23 =	simm.s32 $0x0;
	s26 =	simm.s32 $0x30;
	s24 =	simm.s32 $0x4  }
.LBB2_4:
0x7e: {  	s23 =	sadd.s32 $0x4, s23;
	s22 =	sadd.s32 $0x40, s22;
	s20 =	sadd.s32 $0x100, s20  }
0x7f: {  	p1 =	slt.u32 s23, $0x1FC  }
0x80: {  	s28 =	sand.u32 $0x70, s26;
	s26 =	smov.u32 s22;
	vm0 =	veq.s32 v1, $0x0;
	vm1 =	veq.s32 v1, $0x1;
	vm2 =	veq.s32 v1, $0x2  }
0x81: {  	s21 =	sor.u32 s28, s21;
	v2 =	vsel vm0, $0x3F800000, v0;
	v3 =	vsel vm1, $0x3F800000, v0;
	v4 =	vsel vm2, $0x3F800000, v0  }
0x82: {  	s30 =	sor.u32 $0x100, s29;
	s28 =	sshra.s32 s20, $0x2;
	vm0 =	veq.s32 v1, $0x3;
	[tilespmem:s21+$0x0] =	vst v2  }
0x83: {  	[tilespmem:s21+$0x80] =	vst v3;
	s21 =	sor.u32 $0x180, s29  }
0x84: {  	v1 =	vsel vm0, $0x3F800000, v0;
	[tilespmem:s30+$0xC000] =	vst v4  }
0x85: {  	[tilespmem:s21+$0xC000] =	vst v1  }
0x86: {  	v1 =	vld [tilespmem:s28+$0x2000];
	_ =	sdelay $0x3  }
0x87: {  	s29 =	sadd.s32 $0xFFFFFFD0, s22;
	s30 =	simm.s32 $0x1;
	s21 =	sand.u32 $0x7E00, s20  }
0x88: {  	s29 =	sand.u32 $0x40, s29;
	s30 =	simm.s32 @!p0 $0x0;
	s21 =	sadd.s32 $0xC000, s21;
	vm0 =	veq.s32 v1, $0x0;
	vm1 =	veq.s32 v1, $0x1;
	vm2 =	veq.s32 v1, $0x2  }
0x89: {  	s30 =	sshll.u32 s30, $0x6;
	s29 =	sor.u32 s29, s21;
	v2 =	vsel vm0, $0x3F800000, v0;
	v3 =	vsel vm1, $0x3F800000, v0;
	vm0 =	veq.s32 v1, $0x3  }
0x8a: {  	s30 =	sadd.s32 s30, s20;
	[tilespmem:s29+$0x0] =	vst v2  }
0x8b: {  	v1 =	vsel vm2, $0x3F800000, v0;
	[tilespmem:s29+$0x80] =	vst v3;
	s29 =	sor.u32 $0x100, s30  }
0x8c: {  	[tilespmem:s29+$0xC000] =	vst v1;
	v1 =	vsel vm0, $0x3F800000, v0;
	s29 =	sor.u32 $0x180, s30  }
0x8d: {  	[tilespmem:s29+$0xC000] =	vst v1  }
0x8e: {  	v1 =	vld [tilespmem:s28+$0x2010];
	_ =	sdelay $0x3  }
0x8f: {  	s30 =	sadd.s32 $0xFFFFFFE0, s22;
	s29 =	sand.u32 $0x7, s24  }
0x90: {  	s30 =	sand.u32 $0x50, s30;
	s29 =	sshll.u32 s29, $0x4;
	vm0 =	veq.s32 v1, $0x0;
	vm1 =	veq.s32 v1, $0x1;
	vm2 =	veq.s32 v1, $0x2  }
0x91: {  	s30 =	sor.u32 s30, s21;
	s31 =	sadd.s32 s20, s29;
	v2 =	vsel vm0, $0x3F800000, v0;
	v3 =	vsel vm1, $0x3F800000, v0;
	vm0 =	veq.s32 v1, $0x3  }
0x92: {  	s29 =	sadd.s32 $0x30, s31;
	s31 =	sadd.s32 $0x10, s31;
	[tilespmem:s30+$0x0] =	vst v2  }
0x93: {  	v1 =	vsel vm2, $0x3F800000, v0;
	[tilespmem:s30+$0x80] =	vst v3;
	s30 =	sor.u32 $0x100, s31  }
0x94: {  	[tilespmem:s30+$0xC000] =	vst v1;
	v1 =	vsel vm0, $0x3F800000, v0;
	s30 =	sor.u32 $0x180, s31  }
0x95: {  	[tilespmem:s30+$0xC000] =	vst v1  }
0x96: {  	v1 =	vld [tilespmem:s28+$0x2020];
	_ =	sdelay $0x3  }
0x97: {  	s31 =	sadd.s32 $0xFFFFFFF0, s22;
	s30 =	sand.u32 $0x3, s25  }
0x98: {  	s31 =	sand.u32 $0x60, s31;
	s30 =	sshll.u32 s30, $0x5;
	vm0 =	veq.s32 v1, $0x0;
	vm1 =	veq.s32 v1, $0x1;
	vm2 =	veq.s32 v1, $0x2  }
0x99: {  	s31 =	sor.u32 s31, s21;
	s30 =	sadd.s32 s20, s30;
	v2 =	vsel vm0, $0x3F800000, v0;
	v3 =	vsel vm1, $0x3F800000, v0;
	vm0 =	veq.s32 v1, $0x3  }
0x9a: {  	s30 =	sadd.s32 $0x20, s30;
	[tilespmem:s31+$0x0] =	vst v2  }
0x9b: {  	v1 =	vsel vm2, $0x3F800000, v0;
	[tilespmem:s31+$0x80] =	vst v3;
	s31 =	sor.u32 $0x100, s30  }
.Ltmp1:
0x9c: {  	s30 =	sor.u32 $0x180, s30;
	[tilespmem:s31+$0xC000] =	vst v1;
	v1 =	vsel vm0, $0x3F800000, v0;
	(pc) =	sbr.rel @p1 .LBB2_4-.Ltmp1, $3  }
0x9d: {  	[tilespmem:s30+$0xC000] =	vst v1  }
0x9e: {  	v1 =	vld [tilespmem:s28+$0x2030];
	_ =	sdelay $0x1  }
0x9f: {  	p0 =	por !p0, !p0;
	s24 =	sadd.s32 $0x4, s24;
	s25 =	sadd.s32 $0x2, s25  }
0xa0: {  	_ =	sdelay $0x1  }
0xa1: {  	s20 =	sand.u32 $0x70, s26;
	vm0 =	veq.s32 v1, $0x0  }
0xa2: {  	s20 =	sor.u32 s20, s21;
	vm1 =	veq.s32 v1, $0x1;
	v2 =	vsel vm0, $0x3F800000, v0  }
0xa3: {  	vm14 =	veq.s32 v1, $0x2;
	v3 =	vsel vm1, $0x3F800000, v0;
	[tilespmem:s20+$0x0] =	vst v2  }
0xa4: {  	s26 =	sor.u32 $0x100, s29;
	vm15 =	veq.s32 v1, $0x3;
	v2 =	vsel vm14, $0x3F800000, v0;
	[tilespmem:s20+$0x80] =	vst v3  }
0xa5: {  	s28 =	sor.u32 $0x180, s29;
	v1 =	vsel vm15, $0x3F800000, v0;
	[tilespmem:s26+$0xC000] =	vst v2  }
0xa6: {  	s20 =	simm.s32 $0x0;
	[tilespmem:s28+$0xC000] =	vst v1  }
0xa7: {  	[hbm4b:s7+s20] =	stream.linear.scatter [tilespmem:s16], [sflag:$0x4], $0x8000, $0x38;
	[tilespmem:$0x14000] =	vst v63  }
0xa8: {  	_ = 	snop  }
0xa9: {  	[tilespmem:s12], [sflag:$0x2] =	stream.linear.gather [hbm4b:s8+s20], $0x2000, $0x38;
	[tilespmem:$0x14000] =	vst v63  }
0xaa: {  	_ =	swait.ge [sflag:s13], $0x2000  }
0xab: {  	[sflag:s13] =	ssyncset.done $0x0  }
0xac: {  	[sflag:s13] =	ssyncadd.s32 $0xFFFFE000  }
0xad: {  	_ =	swait.ge [sflag:s17], $0x8000  }
0xae: {  	[sflag:s17] =	ssyncset.done $0x0  }
0xaf: {  	s24 =	simm.s32 $0x0;
	[sflag:s17] =	ssyncadd.s32 $0xFFFF8000  }
0xb0: {  	v1 =	vld [tilespmem:s24+$0x0];
	_ =	sdelay $0x2  }
0xb1: {  	p0 =	por $0x0, $0x0  }
0xb2: {  	s22 =	simm.s32 $0x0;
	s23 =	simm.s32 $0x1;
	s30 =	sand.u32 $0x7E00, s20  }
0xb3: {  	s23 =	simm.s32 @!p0 $0x0;
	s22 =	sand.u32 $0x40, s22;
	s21 =	sadd.s32 $0x4000, s30;
	vm4 =	veq.s32 v1, $0x0  }
0xb4: {  	s23 =	sshll.u32 s23, $0x6;
	s22 =	sor.u32 s22, s21;
	vm5 =	veq.s32 v1, $0x1;
	v2 =	vsel vm4, $0x3F800000, v0  }
0xb5: {  	s23 =	sadd.s32 $0x0, s23;
	vm6 =	veq.s32 v1, $0x2;
	v3 =	vsel vm5, $0x3F800000, v0;
	[tilespmem:s22+$0x0] =	vst v2  }
0xb6: {  	s31 =	sor.u32 $0x100, s23;
	vm7 =	veq.s32 v1, $0x3;
	v1 =	vsel vm6, $0x3F800000, v0;
	[tilespmem:s22+$0x80] =	vst v3  }
0xb7: {  	s23 =	sor.u32 $0x180, s23;
	[tilespmem:s31+$0x4000] =	vst v1;
	v1 =	vsel vm7, $0x3F800000, v0  }
0xb8: {  	[tilespmem:s23+$0x4000] =	vst v1  }
0xb9: {  	v1 =	vld [tilespmem:s24+$0x10];
	_ =	sdelay $0x3  }
0xba: {  	s25 =	sand.u32 $0x7, s20;
	s26 =	simm.s32 $0x10  }
0xbb: {  	s22 =	sshll.u32 s25, $0x4;
	s23 =	sand.u32 $0x50, s26;
	vm8 =	veq.s32 v1, $0x0  }
0xbc: {  	s25 =	sadd.s32 $0x0, s22;
	s28 =	sor.u32 s23, s21;
	vm9 =	veq.s32 v1, $0x1;
	v2 =	vsel vm8, $0x3F800000, v0  }
0xbd: {  	s30 =	sadd.s32 $0x10, s25;
	vm10 =	veq.s32 v1, $0x2;
	v3 =	vsel vm9, $0x3F800000, v0;
	[tilespmem:s28+$0x0] =	vst v2  }
0xbe: {  	s31 =	sor.u32 $0x100, s30;
	vm11 =	veq.s32 v1, $0x3;
	v1 =	vsel vm10, $0x3F800000, v0;
	[tilespmem:s28+$0x80] =	vst v3  }
0xbf: {  	s23 =	sor.u32 $0x180, s30;
	[tilespmem:s31+$0x4000] =	vst v1;
	v1 =	vsel vm11, $0x3F800000, v0  }
0xc0: {  	[tilespmem:s23+$0x4000] =	vst v1  }
0xc1: {  	v1 =	vld [tilespmem:s24+$0x20];
	_ =	sdelay $0x3  }
0xc2: {  	s26 =	sand.u32 $0x3, s20;
	s28 =	simm.s32 $0x20  }
0xc3: {  	s22 =	sshll.u32 s26, $0x5;
	s23 =	sand.u32 $0x60, s28;
	vm12 =	veq.s32 v1, $0x0  }
0xc4: {  	s22 =	sadd.s32 $0x0, s22;
	s23 =	sor.u32 s23, s21;
	vm13 =	veq.s32 v1, $0x1;
	v2 =	vsel vm12, $0x3F800000, v0  }
0xc5: {  	s30 =	sadd.s32 $0x20, s22;
	vm14 =	veq.s32 v1, $0x2;
	v3 =	vsel vm13, $0x3F800000, v0;
	[tilespmem:s23+$0x0] =	vst v2  }
0xc6: {  	s31 =	sor.u32 $0x100, s30;
	vm15 =	veq.s32 v1, $0x3;
	v1 =	vsel vm14, $0x3F800000, v0;
	[tilespmem:s23+$0x80] =	vst v3  }
0xc7: {  	s26 =	sor.u32 $0x180, s30;
	[tilespmem:s31+$0x4000] =	vst v1;
	v1 =	vsel vm15, $0x3F800000, v0  }
0xc8: {  	[tilespmem:s26+$0x4000] =	vst v1  }
0xc9: {  	p0 =	por !p0, !p0;
	v1 =	vld [tilespmem:s24+$0x30]  }
0xca: {  	s29 =	sadd.s32 $0x30, s25;
	s25 =	simm.s32 $0x2;
	s22 =	simm.s32 $0x30  }
0xcb: {  	s23 =	simm.s32 $0x0;
	s26 =	simm.s32 $0x30;
	s24 =	simm.s32 $0x4  }
.LBB2_6:
0xcc: {  	s23 =	sadd.s32 $0x4, s23;
	s22 =	sadd.s32 $0x40, s22;
	s20 =	sadd.s32 $0x100, s20  }
0xcd: {  	p1 =	slt.u32 s23, $0x1FC  }
0xce: {  	s28 =	sand.u32 $0x70, s26;
	s26 =	smov.u32 s22;
	vm0 =	veq.s32 v1, $0x0;
	vm1 =	veq.s32 v1, $0x1;
	vm2 =	veq.s32 v1, $0x2  }
0xcf: {  	s21 =	sor.u32 s28, s21;
	v2 =	vsel vm0, $0x3F800000, v0;
	v3 =	vsel vm1, $0x3F800000, v0;
	v4 =	vsel vm2, $0x3F800000, v0  }
0xd0: {  	s30 =	sor.u32 $0x100, s29;
	s28 =	sshra.s32 s20, $0x2;
	vm0 =	veq.s32 v1, $0x3;
	[tilespmem:s21+$0x0] =	vst v2  }
0xd1: {  	[tilespmem:s21+$0x80] =	vst v3;
	s21 =	sor.u32 $0x180, s29  }
0xd2: {  	v1 =	vsel vm0, $0x3F800000, v0;
	[tilespmem:s30+$0x4000] =	vst v4  }
0xd3: {  	[tilespmem:s21+$0x4000] =	vst v1  }
0xd4: {  	v1 =	vld [tilespmem:s28+$0x0];
	_ =	sdelay $0x3  }
0xd5: {  	s29 =	sadd.s32 $0xFFFFFFD0, s22;
	s30 =	simm.s32 $0x1;
	s21 =	sand.u32 $0x7E00, s20  }
0xd6: {  	s29 =	sand.u32 $0x40, s29;
	s30 =	simm.s32 @!p0 $0x0;
	s21 =	sadd.s32 $0x4000, s21;
	vm0 =	veq.s32 v1, $0x0;
	vm1 =	veq.s32 v1, $0x1;
	vm2 =	veq.s32 v1, $0x2  }
0xd7: {  	s30 =	sshll.u32 s30, $0x6;
	s29 =	sor.u32 s29, s21;
	v2 =	vsel vm0, $0x3F800000, v0;
	v3 =	vsel vm1, $0x3F800000, v0;
	vm0 =	veq.s32 v1, $0x3  }
0xd8: {  	s30 =	sadd.s32 s30, s20;
	[tilespmem:s29+$0x0] =	vst v2  }
0xd9: {  	v1 =	vsel vm2, $0x3F800000, v0;
	[tilespmem:s29+$0x80] =	vst v3;
	s29 =	sor.u32 $0x100, s30  }
0xda: {  	[tilespmem:s29+$0x4000] =	vst v1;
	v1 =	vsel vm0, $0x3F800000, v0;
	s29 =	sor.u32 $0x180, s30  }
0xdb: {  	[tilespmem:s29+$0x4000] =	vst v1  }
0xdc: {  	v1 =	vld [tilespmem:s28+$0x10];
	_ =	sdelay $0x3  }
0xdd: {  	s30 =	sadd.s32 $0xFFFFFFE0, s22;
	s29 =	sand.u32 $0x7, s24  }
0xde: {  	s30 =	sand.u32 $0x50, s30;
	s29 =	sshll.u32 s29, $0x4;
	vm0 =	veq.s32 v1, $0x0;
	vm1 =	veq.s32 v1, $0x1;
	vm2 =	veq.s32 v1, $0x2  }
0xdf: {  	s30 =	sor.u32 s30, s21;
	s31 =	sadd.s32 s20, s29;
	v2 =	vsel vm0, $0x3F800000, v0;
	v3 =	vsel vm1, $0x3F800000, v0;
	vm0 =	veq.s32 v1, $0x3  }
0xe0: {  	s29 =	sadd.s32 $0x30, s31;
	s31 =	sadd.s32 $0x10, s31;
	[tilespmem:s30+$0x0] =	vst v2  }
0xe1: {  	v1 =	vsel vm2, $0x3F800000, v0;
	[tilespmem:s30+$0x80] =	vst v3;
	s30 =	sor.u32 $0x100, s31  }
0xe2: {  	[tilespmem:s30+$0x4000] =	vst v1;
	v1 =	vsel vm0, $0x3F800000, v0;
	s30 =	sor.u32 $0x180, s31  }
0xe3: {  	[tilespmem:s30+$0x4000] =	vst v1  }
0xe4: {  	v1 =	vld [tilespmem:s28+$0x20];
	_ =	sdelay $0x3  }
0xe5: {  	s31 =	sadd.s32 $0xFFFFFFF0, s22;
	s30 =	sand.u32 $0x3, s25  }
0xe6: {  	s31 =	sand.u32 $0x60, s31;
	s30 =	sshll.u32 s30, $0x5;
	vm0 =	veq.s32 v1, $0x0;
	vm1 =	veq.s32 v1, $0x1;
	vm2 =	veq.s32 v1, $0x2  }
0xe7: {  	s31 =	sor.u32 s31, s21;
	s30 =	sadd.s32 s20, s30;
	v2 =	vsel vm0, $0x3F800000, v0;
	v3 =	vsel vm1, $0x3F800000, v0;
	vm0 =	veq.s32 v1, $0x3  }
0xe8: {  	s30 =	sadd.s32 $0x20, s30;
	[tilespmem:s31+$0x0] =	vst v2  }
0xe9: {  	v1 =	vsel vm2, $0x3F800000, v0;
	[tilespmem:s31+$0x80] =	vst v3;
	s31 =	sor.u32 $0x100, s30  }
.Ltmp2:
0xea: {  	s30 =	sor.u32 $0x180, s30;
	[tilespmem:s31+$0x4000] =	vst v1;
	v1 =	vsel vm0, $0x3F800000, v0;
	(pc) =	sbr.rel @p1 .LBB2_6-.Ltmp2, $3  }
0xeb: {  	[tilespmem:s30+$0x4000] =	vst v1  }
0xec: {  	v1 =	vld [tilespmem:s28+$0x30];
	_ =	sdelay $0x1  }
0xed: {  	p0 =	por !p0, !p0;
	s24 =	sadd.s32 $0x4, s24;
	s25 =	sadd.s32 $0x2, s25  }
0xee: {  	_ =	sdelay $0x1  }
0xef: {  	s20 =	sand.u32 $0x70, s26;
	vm0 =	veq.s32 v1, $0x0  }
0xf0: {  	s20 =	sor.u32 s20, s21;
	vm1 =	veq.s32 v1, $0x1;
	v2 =	vsel vm0, $0x3F800000, v0  }
0xf1: {  	vm14 =	veq.s32 v1, $0x2;
	v3 =	vsel vm1, $0x3F800000, v0;
	[tilespmem:s20+$0x0] =	vst v2  }
0xf2: {  	s26 =	sor.u32 $0x100, s29;
	vm15 =	veq.s32 v1, $0x3;
	v2 =	vsel vm14, $0x3F800000, v0;
	[tilespmem:s20+$0x80] =	vst v3  }
0xf3: {  	s28 =	sor.u32 $0x180, s29;
	v1 =	vsel vm15, $0x3F800000, v0;
	[tilespmem:s26+$0x4000] =	vst v2  }
0xf4: {  	s20 =	simm.s32 $0x0;
	[tilespmem:s28+$0x4000] =	vst v1  }
0xf5: {  	[hbm4b:s9+s20] =	stream.linear.scatter [tilespmem:s14], [sflag:$0x3], $0x8000, $0x38;
	[tilespmem:$0x14000] =	vst v63  }
0xf6: {  	_ =	swait.ge [sflag:s15], $0x2000  }
0xf7: {  	[sflag:s15] =	ssyncset.done $0x0  }
0xf8: {  	[sflag:s15] =	ssyncadd.s32 $0xFFFFE000  }
0xf9: {  	_ =	swait.ge [sflag:s18], $0x8000  }
0xfa: {  	[sflag:s18] =	ssyncset.done $0x0  }
0xfb: {  	s24 =	simm.s32 $0x0;
	[sflag:s18] =	ssyncadd.s32 $0xFFFF8000  }
0xfc: {  	v1 =	vld [tilespmem:s24+$0x2000];
	_ =	sdelay $0x2  }
0xfd: {  	p0 =	por $0x0, $0x0  }
0xfe: {  	s22 =	simm.s32 $0x0;
	s23 =	simm.s32 $0x1;
	s30 =	sand.u32 $0x7E00, s20  }
0xff: {  	s23 =	simm.s32 @!p0 $0x0;
	s22 =	sand.u32 $0x40, s22;
	s21 =	sadd.s32 $0xC000, s30;
	vm4 =	veq.s32 v1, $0x0  }
0x100: {  	s23 =	sshll.u32 s23, $0x6;
	s22 =	sor.u32 s22, s21;
	vm5 =	veq.s32 v1, $0x1;
	v2 =	vsel vm4, $0x3F800000, v0  }
0x101: {  	s23 =	sadd.s32 $0x0, s23;
	vm6 =	veq.s32 v1, $0x2;
	v3 =	vsel vm5, $0x3F800000, v0;
	[tilespmem:s22+$0x0] =	vst v2  }
0x102: {  	s31 =	sor.u32 $0x100, s23;
	vm7 =	veq.s32 v1, $0x3;
	v1 =	vsel vm6, $0x3F800000, v0;
	[tilespmem:s22+$0x80] =	vst v3  }
0x103: {  	s23 =	sor.u32 $0x180, s23;
	[tilespmem:s31+$0xC000] =	vst v1;
	v1 =	vsel vm7, $0x3F800000, v0  }
0x104: {  	[tilespmem:s23+$0xC000] =	vst v1  }
0x105: {  	v1 =	vld [tilespmem:s24+$0x2010];
	_ =	sdelay $0x3  }
0x106: {  	s25 =	sand.u32 $0x7, s20;
	s26 =	simm.s32 $0x10  }
0x107: {  	s22 =	sshll.u32 s25, $0x4;
	s23 =	sand.u32 $0x50, s26;
	vm8 =	veq.s32 v1, $0x0  }
0x108: {  	s25 =	sadd.s32 $0x0, s22;
	s28 =	sor.u32 s23, s21;
	vm9 =	veq.s32 v1, $0x1;
	v2 =	vsel vm8, $0x3F800000, v0  }
0x109: {  	s30 =	sadd.s32 $0x10, s25;
	vm10 =	veq.s32 v1, $0x2;
	v3 =	vsel vm9, $0x3F800000, v0;
	[tilespmem:s28+$0x0] =	vst v2  }
0x10a: {  	s31 =	sor.u32 $0x100, s30;
	vm11 =	veq.s32 v1, $0x3;
	v1 =	vsel vm10, $0x3F800000, v0;
	[tilespmem:s28+$0x80] =	vst v3  }
0x10b: {  	s23 =	sor.u32 $0x180, s30;
	[tilespmem:s31+$0xC000] =	vst v1;
	v1 =	vsel vm11, $0x3F800000, v0  }
0x10c: {  	[tilespmem:s23+$0xC000] =	vst v1  }
0x10d: {  	v1 =	vld [tilespmem:s24+$0x2020];
	_ =	sdelay $0x3  }
0x10e: {  	s26 =	sand.u32 $0x3, s20;
	s28 =	simm.s32 $0x20  }
0x10f: {  	s22 =	sshll.u32 s26, $0x5;
	s23 =	sand.u32 $0x60, s28;
	vm12 =	veq.s32 v1, $0x0  }
0x110: {  	s22 =	sadd.s32 $0x0, s22;
	s23 =	sor.u32 s23, s21;
	vm13 =	veq.s32 v1, $0x1;
	v2 =	vsel vm12, $0x3F800000, v0  }
0x111: {  	s30 =	sadd.s32 $0x20, s22;
	vm14 =	veq.s32 v1, $0x2;
	v3 =	vsel vm13, $0x3F800000, v0;
	[tilespmem:s23+$0x0] =	vst v2  }
0x112: {  	s31 =	sor.u32 $0x100, s30;
	vm15 =	veq.s32 v1, $0x3;
	v1 =	vsel vm14, $0x3F800000, v0;
	[tilespmem:s23+$0x80] =	vst v3  }
0x113: {  	s26 =	sor.u32 $0x180, s30;
	[tilespmem:s31+$0xC000] =	vst v1;
	v1 =	vsel vm15, $0x3F800000, v0  }
0x114: {  	[tilespmem:s26+$0xC000] =	vst v1  }
0x115: {  	p0 =	por !p0, !p0;
	v1 =	vld [tilespmem:s24+$0x2030]  }
0x116: {  	s29 =	sadd.s32 $0x30, s25;
	s25 =	simm.s32 $0x2;
	s22 =	simm.s32 $0x30  }
0x117: {  	s23 =	simm.s32 $0x0;
	s26 =	simm.s32 $0x30;
	s24 =	simm.s32 $0x4  }
.LBB2_8:
0x118: {  	s23 =	sadd.s32 $0x4, s23;
	s22 =	sadd.s32 $0x40, s22;
	s20 =	sadd.s32 $0x100, s20  }
0x119: {  	p1 =	slt.u32 s23, $0x1FC  }
0x11a: {  	s28 =	sand.u32 $0x70, s26;
	s26 =	smov.u32 s22;
	vm0 =	veq.s32 v1, $0x0;
	vm1 =	veq.s32 v1, $0x1;
	vm2 =	veq.s32 v1, $0x2  }
0x11b: {  	s21 =	sor.u32 s28, s21;
	v2 =	vsel vm0, $0x3F800000, v0;
	v3 =	vsel vm1, $0x3F800000, v0;
	v4 =	vsel vm2, $0x3F800000, v0  }
0x11c: {  	s30 =	sor.u32 $0x100, s29;
	s28 =	sshra.s32 s20, $0x2;
	vm0 =	veq.s32 v1, $0x3;
	[tilespmem:s21+$0x0] =	vst v2  }
0x11d: {  	[tilespmem:s21+$0x80] =	vst v3;
	s21 =	sor.u32 $0x180, s29  }
0x11e: {  	v1 =	vsel vm0, $0x3F800000, v0;
	[tilespmem:s30+$0xC000] =	vst v4  }
0x11f: {  	[tilespmem:s21+$0xC000] =	vst v1  }
0x120: {  	v1 =	vld [tilespmem:s28+$0x2000];
	_ =	sdelay $0x3  }
0x121: {  	s29 =	sadd.s32 $0xFFFFFFD0, s22;
	s30 =	simm.s32 $0x1;
	s21 =	sand.u32 $0x7E00, s20  }
0x122: {  	s29 =	sand.u32 $0x40, s29;
	s30 =	simm.s32 @!p0 $0x0;
	s21 =	sadd.s32 $0xC000, s21;
	vm0 =	veq.s32 v1, $0x0;
	vm1 =	veq.s32 v1, $0x1;
	vm2 =	veq.s32 v1, $0x2  }
0x123: {  	s30 =	sshll.u32 s30, $0x6;
	s29 =	sor.u32 s29, s21;
	v2 =	vsel vm0, $0x3F800000, v0;
	v3 =	vsel vm1, $0x3F800000, v0;
	vm0 =	veq.s32 v1, $0x3  }
0x124: {  	s30 =	sadd.s32 s30, s20;
	[tilespmem:s29+$0x0] =	vst v2  }
0x125: {  	v1 =	vsel vm2, $0x3F800000, v0;
	[tilespmem:s29+$0x80] =	vst v3;
	s29 =	sor.u32 $0x100, s30  }
0x126: {  	[tilespmem:s29+$0xC000] =	vst v1;
	v1 =	vsel vm0, $0x3F800000, v0;
	s29 =	sor.u32 $0x180, s30  }
0x127: {  	[tilespmem:s29+$0xC000] =	vst v1  }
0x128: {  	v1 =	vld [tilespmem:s28+$0x2010];
	_ =	sdelay $0x3  }
0x129: {  	s30 =	sadd.s32 $0xFFFFFFE0, s22;
	s29 =	sand.u32 $0x7, s24  }
0x12a: {  	s30 =	sand.u32 $0x50, s30;
	s29 =	sshll.u32 s29, $0x4;
	vm0 =	veq.s32 v1, $0x0;
	vm1 =	veq.s32 v1, $0x1;
	vm2 =	veq.s32 v1, $0x2  }
0x12b: {  	s30 =	sor.u32 s30, s21;
	s31 =	sadd.s32 s20, s29;
	v2 =	vsel vm0, $0x3F800000, v0;
	v3 =	vsel vm1, $0x3F800000, v0;
	vm0 =	veq.s32 v1, $0x3  }
0x12c: {  	s29 =	sadd.s32 $0x30, s31;
	s31 =	sadd.s32 $0x10, s31;
	[tilespmem:s30+$0x0] =	vst v2  }
0x12d: {  	v1 =	vsel vm2, $0x3F800000, v0;
	[tilespmem:s30+$0x80] =	vst v3;
	s30 =	sor.u32 $0x100, s31  }
0x12e: {  	[tilespmem:s30+$0xC000] =	vst v1;
	v1 =	vsel vm0, $0x3F800000, v0;
	s30 =	sor.u32 $0x180, s31  }
0x12f: {  	[tilespmem:s30+$0xC000] =	vst v1  }
0x130: {  	v1 =	vld [tilespmem:s28+$0x2020];
	_ =	sdelay $0x3  }
0x131: {  	s31 =	sadd.s32 $0xFFFFFFF0, s22;
	s30 =	sand.u32 $0x3, s25  }
0x132: {  	s31 =	sand.u32 $0x60, s31;
	s30 =	sshll.u32 s30, $0x5;
	vm0 =	veq.s32 v1, $0x0;
	vm1 =	veq.s32 v1, $0x1;
	vm2 =	veq.s32 v1, $0x2  }
0x133: {  	s31 =	sor.u32 s31, s21;
	s30 =	sadd.s32 s20, s30;
	v2 =	vsel vm0, $0x3F800000, v0;
	v3 =	vsel vm1, $0x3F800000, v0;
	vm0 =	veq.s32 v1, $0x3  }
0x134: {  	s30 =	sadd.s32 $0x20, s30;
	[tilespmem:s31+$0x0] =	vst v2  }
0x135: {  	v1 =	vsel vm2, $0x3F800000, v0;
	[tilespmem:s31+$0x80] =	vst v3;
	s31 =	sor.u32 $0x100, s30  }
.Ltmp3:
0x136: {  	s30 =	sor.u32 $0x180, s30;
	[tilespmem:s31+$0xC000] =	vst v1;
	v1 =	vsel vm0, $0x3F800000, v0;
	(pc) =	sbr.rel @p1 .LBB2_8-.Ltmp3, $3  }
0x137: {  	[tilespmem:s30+$0xC000] =	vst v1  }
0x138: {  	v1 =	vld [tilespmem:s28+$0x2030];
	_ =	sdelay $0x1  }
0x139: {  	p0 =	por !p0, !p0;
	s24 =	sadd.s32 $0x4, s24;
	s25 =	sadd.s32 $0x2, s25  }
0x13a: {  	_ =	sdelay $0x1  }
0x13b: {  	s20 =	sand.u32 $0x70, s26;
	vm0 =	veq.s32 v1, $0x0  }
0x13c: {  	s20 =	sor.u32 s20, s21;
	vm1 =	veq.s32 v1, $0x1;
	v2 =	vsel vm0, $0x3F800000, v0  }
0x13d: {  	vm14 =	veq.s32 v1, $0x2;
	v3 =	vsel vm1, $0x3F800000, v0;
	[tilespmem:s20+$0x0] =	vst v2  }
0x13e: {  	s30 =	sor.u32 $0x100, s29;
	vm15 =	veq.s32 v1, $0x3;
	v2 =	vsel vm14, $0x3F800000, v0;
	[tilespmem:s20+$0x80] =	vst v3  }
0x13f: {  	s31 =	sor.u32 $0x180, s29;
	v1 =	vsel vm15, $0x3F800000, v0;
	[tilespmem:s30+$0xC000] =	vst v2  }
0x140: {  	s19 =	sadd.s32 $0x1, s19;
	[tilespmem:s31+$0xC000] =	vst v1  }
0x141: {  	[hbm4b:s10+s2] =	stream.linear.scatter [tilespmem:s16], [sflag:$0x4], $0x8000, $0x38;
	[tilespmem:$0x14000] =	vst v63  }
0x142: {  	p0 =	sne.s32 s19, s11;
	_ =	swait.ge [sflag:s17], $0x8000  }
.Ltmp4:
0x143: {  	[sflag:s17] =	ssyncset.done $0x0;
	(pc) =	sbr.rel @p0 .LBB2_1-.Ltmp4, $4  }
0x144: {  	[sflag:s17] =	ssyncadd.s32 $0xFFFF8000  }
0x145: {  	_ =	swait.ge [sflag:s18], $0x8000  }
0x146: {  	[sflag:s18] =	ssyncset.done $0x0  }
0x147: {  	[sflag:s18] =	ssyncadd.s32 $0xFFFF8000  }
0x148: {  	_ =	sfence.sel $0x180000  }
0x149: {  	[bflag:$0x0] =	sbarrier.arrive $0xFFFF  }
0x14a: {  	p0 =	sne.s32 s1, $0x0;
	_ =	strace $0x90000047  }
0x14b: {  	s0 =	sadd.s32 @!p0 $0x100000, s0;
	[bflag:$0x2] =	sbarrier.arrive $0xFFFF  }
0x14c: {  	[sflag:s0] =	ssyncadd.tile.s32 @!p0 $0x1;
	_ =	shalt  }
.Lfunc_end2:
_tile_overlayer_lowered:
.L_overlay_start_2:
0x14d: {  	(tag) =	ssettag $0x2  }
0x14e: {  	s0 =	rddreg [dreg:$0x0];
	s2 =	stileid.u32  }
0x14f: {  	s1 =	rddreg [dreg:$0x1];
	p0 =	sne.s32 s2, $0x0  }
0x150: {  	s3 =	rddreg [dreg:$0x2];
	[bflag:$0x3] =	sbarrier.arrive $0xFFFF;
	s2 =	simm.s32 @!p0 $0x1C05  }
0x151: {  	[timem:s3], [sflag:s2] =	dma.local @!p0 [hbm:s0], s1  }
0x152: {  	s0 =	simm.s32 @!p0 $0x5  }
0x153: {  	_ =	swait.ge @!p0 [sflag:s0], s1  }
0x154: {  	s1 =	ssub.s32 @!p0 $0x0, s1;
	[sflag:s0] =	ssyncset.done @!p0 $0x0  }
0x155: {  	[sflag:s0] =	ssyncadd.s32 @!p0 s1  }
0x156: {  	[bflag:$0x3] =	sbarrier.arrive $0xFFFF  }
0x157: {  	_ =	shalt  }

</sc_bundles>
